<compile_context>
chip_gen: v7x
topology: tpu7x:2x2x1
jax: 0.10.2.dev20260603
libtpu: 0.0.44.dev20260713+nightly
codegen_flags: <defaults>
</compile_context>

<pallas_src>
import functools

import jax
import jax.numpy as jnp
from jax import lax
from jax.experimental import pallas as pl
from jax.experimental.pallas import tpu as pltpu
from jax.experimental.pallas import tpu_sc as plsc




def _scores_body(wt_ref, xt_ref, b_ref, tce_ref, id_ref, vals_ref):
    eT = jnp.dot(wt_ref[...], xt_ref[...], preferred_element_type=jnp.float32)
    eT = eT + b_ref[...]
    s = jnp.sum(tce_ref[...] * eT[None, :, :], axis=1)
    m = jnp.max(s, axis=0, keepdims=True)
    p = jnp.exp(s - m)
    p = p / jnp.sum(p, axis=0, keepdims=True)
    ids = id_ref[...]
    eq = ids[:, None, :] == ids[None, :, :]
    vals_ref[...] = jnp.sum(jnp.where(eq, p[None, :, :], 0.0), axis=1) + 1e-6


def _tc_scores_t(xt, wt, b_col, tce_t, tid_t, block_b):
    D, B = xt.shape
    NC, EC, _ = tce_t.shape
    return pl.pallas_call(
        _scores_body,
        grid=(B // block_b,),
        in_specs=[
            pl.BlockSpec((EC, D), lambda i: (0, 0)),
            pl.BlockSpec((D, block_b), lambda i: (0, i)),
            pl.BlockSpec((EC, 1), lambda i: (0, 0)),
            pl.BlockSpec((NC, EC, block_b), lambda i: (0, 0, i)),
            pl.BlockSpec((NC, block_b), lambda i: (0, i)),
        ],
        out_specs=pl.BlockSpec((NC, block_b), lambda i: (0, i)),
        out_shape=jax.ShapeDtypeStruct((NC, B), jnp.float32),
    )(wt, xt, b_col, tce_t, tid_t)




def _make_sc_fill(B, V):
    info = plsc.get_sparse_core_info()
    nw = info.num_cores * info.num_subcores
    chunks = B * V // (nw * V)
    mesh = plsc.VectorSubcoreMesh(core_axis_name="c", subcore_axis_name="s")

    @functools.partial(
        pl.kernel,
        out_type=jax.ShapeDtypeStruct((B * V,), jnp.float32),
        mesh=mesh,
        scratch_types=[
            pltpu.VMEM((V,), jnp.float32),
            pltpu.SemaphoreType.DMA,
        ],
    )
    def fill_kernel(out_hbm, rowbuf, sem_f):
        wid = lax.axis_index("s") * info.num_cores + lax.axis_index("c")

        def fill(i, carry):
            rowbuf[pl.ds(i * 16, 16)] = jnp.full((16,), 1e-6, jnp.float32)
            return carry

        lax.fori_loop(0, V // 16, fill, 0)
        fills = [
            pltpu.async_copy(
                rowbuf, out_hbm.at[pl.ds((wid * chunks + r) * V, V)], sem_f
            )
            for r in range(chunks)
        ]
        for f in fills:
            f.wait()

    return fill_kernel


def _make_sc_scatter(B, V, n_chunks, chunk_w):
    info = plsc.get_sparse_core_info()
    nw = info.num_cores * info.num_subcores
    chunks_per_w = n_chunks // nw
    mesh = plsc.VectorSubcoreMesh(core_axis_name="c", subcore_axis_name="s")

    @functools.partial(
        pl.kernel,
        mesh=mesh,
        scratch_types=[
            pltpu.VMEM((chunks_per_w, chunk_w), jnp.int32),
            pltpu.VMEM((chunks_per_w, chunk_w), jnp.float32),
            pltpu.SemaphoreType.DMA,
        ],
    )
    def scatter_kernel(idx_hbm, val_hbm, out_ref, idx_v, val_v, sem_s):
        wid = lax.axis_index("s") * info.num_cores + lax.axis_index("c")
        pltpu.sync_copy(idx_hbm.at[pl.ds(wid * chunks_per_w, chunks_per_w)], idx_v)
        pltpu.sync_copy(val_hbm.at[pl.ds(wid * chunks_per_w, chunks_per_w)], val_v)
        scats = [
            pltpu.async_copy(val_v.at[c], out_ref.at[idx_v.at[c]], sem_s)
            for c in range(chunks_per_w)
        ]
        for s in scats:
            s.wait()

    return scatter_kernel




def _relayout_body(in_ref, out_ref):
    out_ref[...] = in_ref[...].reshape(out_ref.shape)


def _tc_relayout_t(flat_t, B, V, crows):
    return pl.pallas_call(
        _relayout_body,
        grid=(V // crows,),
        in_specs=[pl.BlockSpec((crows * B,), lambda i: (i,))],
        out_specs=pl.BlockSpec((crows, B), lambda i: (i, 0)),
        out_shape=jax.ShapeDtypeStruct((V, B), jnp.float32),
    )(flat_t)




def kernel(x, top_city_emb, top_city_id, prob, W, b):
    B, D = x.shape
    _, NC, EC = top_city_emb.shape
    V = prob.shape[1]

    tce_t = jnp.transpose(top_city_emb, (1, 2, 0))
    tid_t = top_city_id.T
    wt = W.T
    xt = x.T

    vals_t = _tc_scores_t(xt, wt, b.reshape(EC, 1), tce_t, tid_t, 128)
    vals = vals_t.T

    flat_idx = top_city_id * B + jnp.arange(B, dtype=jnp.int32)[:, None]
    chunk_w = 128
    idx2 = flat_idx.reshape(B // 2, 2 * NC)
    val2 = vals.reshape(B // 2, 2 * NC)
    pad = chunk_w - 2 * NC
    idx_c = jnp.concatenate([idx2, idx2[:, :pad]], axis=1)
    val_c = jnp.concatenate([val2, val2[:, :pad]], axis=1)

    flat0 = _make_sc_fill(B, V)()
    flat_ref = jax.new_ref(flat0)
    _make_sc_scatter(B, V, B // 2, chunk_w)(idx_c, val_c, flat_ref)
    out_flat = flat_ref[...]
    return _tc_relayout_t(out_flat, B, V, 800).T

# --- scband reference (transcript-rebuilt; emitter-appended) ---
"""Pipeline reference for scband-emb-dot-soft-max-1975684956456 (READ-ONLY COPY).

The authoritative reference and input builder live on the scoring server;
editing this copy changes nothing except your own understanding.
"""

import jax, jax.numpy as jnp
import numpy as np


def setup_inputs(seed: int = 0) -> dict:
    key = jax.random.key(seed)
    ks = jax.random.split(key, 6)
    B, D, EC, NC, V = 1024, 512, 600, 50, 100000
    x = jax.random.normal(ks[0], (B, D), dtype=jnp.float32)
    top_city_emb = jax.random.normal(ks[1], (B, NC, EC), dtype=jnp.float32)
    top_city_id = jax.random.randint(ks[2], (B, NC), 0, V, dtype=jnp.int32)
    prob = jnp.zeros((B, V), dtype=jnp.float32)
    W = jax.random.normal(ks[3], (D, EC), dtype=jnp.float32) * (1.0 / np.sqrt(D))
    b = jnp.zeros((EC,), dtype=jnp.float32)
    return {"x": x, "top_city_emb": top_city_emb, "top_city_id": top_city_id, "prob": prob, "W": W, "b": b}


def reference(x, top_city_emb, top_city_id, prob, W, b):
    # Dense projection (keras Dense: x @ W + b)
    emb_pred = x @ W + b                              # [B, EC]
    # dot with each candidate city embedding
    s = jnp.sum(emb_pred[:, None, :] * top_city_emb, axis=2)   # [B, N_CITY]
    s = jax.nn.softmax(s, axis=-1)
    # scatter candidate probabilities into full-vocab prob tensor
    rowids = jnp.broadcast_to(jnp.arange(x.shape[0])[:, None], top_city_id.shape)
    out = jnp.zeros(prob.shape, dtype=s.dtype).at[rowids, top_city_id].add(s) + 1e-06
    return out

if __name__ == "__main__":
    import jax
    _d = setup_inputs()
    print(jax.jit(kernel)(*tuple(_d.values())))

</pallas_src>

<mosaic_0001>
#map = affine_map<(d0, d1) -> (0, 0)>
#map1 = affine_map<(d0, d1) -> (0)>
module attributes {stable_mosaic.version = 14 : i64} {
  func.func @new_body(%arg0: i32, %arg1: i32, %arg2: memref<512x128xi32, #tpu.memory_space<hbm>>, %arg3: memref<512x128xf32, #tpu.memory_space<hbm>>, %arg4: memref<102400000xf32, #tpu.memory_space<hbm>>, %arg5: memref<102400000xf32, #tpu.memory_space<hbm>>, %arg6: memref<16x128xi32, #tpu.memory_space<vmem>>, %arg7: memref<16x128xf32, #tpu.memory_space<vmem>>, %arg8: memref<!tpu.dma_semaphore, #tpu.memory_space<semaphore_mem>>) attributes {dimension_semantics = [#tpu.dimension_semantics<core_parallel>, #tpu.dimension_semantics<subcore_parallel>], iteration_bounds = array<i64: 2, 16>, scalar_prefetch = 0 : i64, scratch_operands = 3 : i64, tpu.core_type = #tpu.core_type<sc_vector_subcore>, window_params = [{transform_indices = #map}, {transform_indices = #map}, {transform_indices = #map1}, {transform_indices = #map1}]} {
    %mul3A = arith.constant 2 : i32
    %mul3A_0 = arith.muli %arg1, %mul3A : i32
    %add3A = arith.addi %mul3A_0, %arg0 : i32
    %mul3A_1 = arith.constant 16 : i32
    %mul3A_2 = arith.muli %add3A, %mul3A_1 : i32
    "tpu.region"() ({
      %run_scoped3A = tpu.sem_alloc : memref<!tpu.dma_semaphore, #tpu.memory_space<semaphore_mem>>
      %dma_start3A_323 = arith.constant 0 : i32
      %dma_start3A_324 = tpu.memref_slice %arg2[%mul3A_2, %dma_start3A_323] : memref<512x128xi32, #tpu.memory_space<hbm>> -> memref<16x128xi32, #tpu.memory_space<hbm>>
      %dma_start3A_325 = arith.constant 0 : i32
      %dma_start3A_326 = tpu.memref_slice %arg2[%mul3A_2, %dma_start3A_325] : memref<512x128xi32, #tpu.memory_space<hbm>> -> memref<16x128xi32, #tpu.memory_space<hbm>>
      tpu.enqueue_dma source(%dma_start3A_326 : memref<16x128xi32, #tpu.memory_space<hbm>>) target(%arg6 : memref<16x128xi32, #tpu.memory_space<vmem>>) target_semaphore(%run_scoped3A : memref<!tpu.dma_semaphore, #tpu.memory_space<semaphore_mem>>)
      %dma_wait3A_327 = arith.constant 0 : i32
      %dma_wait3A_328 = tpu.memref_slice %arg2[%mul3A_2, %dma_wait3A_327] : memref<512x128xi32, #tpu.memory_space<hbm>> -> memref<16x128xi32, #tpu.memory_space<hbm>>
      %dma_wait3A_329 = arith.constant 0 : i32
      %dma_wait3A_330 = tpu.memref_slice %arg2[%mul3A_2, %dma_wait3A_329] : memref<512x128xi32, #tpu.memory_space<hbm>> -> memref<16x128xi32, #tpu.memory_space<hbm>>
      tpu.wait_dma2 semaphore(%run_scoped3A : memref<!tpu.dma_semaphore, #tpu.memory_space<semaphore_mem>>) src(%dma_wait3A_330 : memref<16x128xi32, #tpu.memory_space<hbm>>) dst(%arg6 : memref<16x128xi32, #tpu.memory_space<vmem>>)
      tpu.yield
    }) : () -> ()
    %mul3A_3 = arith.constant 16 : i32
    %mul3A_4 = arith.muli %add3A, %mul3A_3 : i32
    "tpu.region"() ({
      %run_scoped3A = tpu.sem_alloc : memref<!tpu.dma_semaphore, #tpu.memory_space<semaphore_mem>>
      %dma_start3A_323 = arith.constant 0 : i32
      %dma_start3A_324 = tpu.memref_slice %arg3[%mul3A_4, %dma_start3A_323] : memref<512x128xf32, #tpu.memory_space<hbm>> -> memref<16x128xf32, #tpu.memory_space<hbm>>
      %dma_start3A_325 = arith.constant 0 : i32
      %dma_start3A_326 = tpu.memref_slice %arg3[%mul3A_4, %dma_start3A_325] : memref<512x128xf32, #tpu.memory_space<hbm>> -> memref<16x128xf32, #tpu.memory_space<hbm>>
      tpu.enqueue_dma source(%dma_start3A_326 : memref<16x128xf32, #tpu.memory_space<hbm>>) target(%arg7 : memref<16x128xf32, #tpu.memory_space<vmem>>) target_semaphore(%run_scoped3A : memref<!tpu.dma_semaphore, #tpu.memory_space<semaphore_mem>>)
      %dma_wait3A_327 = arith.constant 0 : i32
      %dma_wait3A_328 = tpu.memref_slice %arg3[%mul3A_4, %dma_wait3A_327] : memref<512x128xf32, #tpu.memory_space<hbm>> -> memref<16x128xf32, #tpu.memory_space<hbm>>
      %dma_wait3A_329 = arith.constant 0 : i32
      %dma_wait3A_330 = tpu.memref_slice %arg3[%mul3A_4, %dma_wait3A_329] : memref<512x128xf32, #tpu.memory_space<hbm>> -> memref<16x128xf32, #tpu.memory_space<hbm>>
      tpu.wait_dma2 semaphore(%run_scoped3A : memref<!tpu.dma_semaphore, #tpu.memory_space<semaphore_mem>>) src(%dma_wait3A_330 : memref<16x128xf32, #tpu.memory_space<hbm>>) dst(%arg7 : memref<16x128xf32, #tpu.memory_space<vmem>>)
      tpu.yield
    }) : () -> ()
    %dma_start3A = arith.constant 0 : i32
    %dma_start3A_5 = arith.constant 0 : i32
    %dma_start3A_6 = arith.constant 0 : i32
    %dma_start3A_7 = tpu.memref_slice %arg7[%dma_start3A, %dma_start3A_6] : memref<16x128xf32, #tpu.memory_space<vmem>> -> memref<1x128xf32, #tpu.memory_space<vmem>>
    %dma_start3A_8 = tpu.memref_squeeze %dma_start3A_7 : memref<1x128xf32, #tpu.memory_space<vmem>> -> memref<128xf32, #tpu.memory_space<vmem>>
    %dma_start3A_9 = arith.constant 0 : i32
    %dma_start3A_10 = tpu.memref_slice %arg6[%dma_start3A_5, %dma_start3A_9] : memref<16x128xi32, #tpu.memory_space<vmem>> -> memref<1x128xi32, #tpu.memory_space<vmem>>
    %dma_start3A_11 = tpu.memref_squeeze %dma_start3A_10 : memref<1x128xi32, #tpu.memory_space<vmem>> -> memref<128xi32, #tpu.memory_space<vmem>>
    %dma_start3A_12 = arith.constant 0 : i32
    %dma_start3A_13 = tpu.memref_slice %arg4[%dma_start3A_12] : memref<102400000xf32, #tpu.memory_space<hbm>> -> memref<102400000xf32, #tpu.memory_space<hbm>>
    tpu.enqueue_indirect_dma source(%dma_start3A_8 : memref<128xf32, #tpu.memory_space<vmem>>) target(%dma_start3A_13 : memref<102400000xf32, #tpu.memory_space<hbm>>) offsets(%dma_start3A_11 : memref<128xi32, #tpu.memory_space<vmem>>) semaphore(%arg8 : memref<!tpu.dma_semaphore, #tpu.memory_space<semaphore_mem>>)
    %dma_start3A_14 = arith.constant 1 : i32
    %dma_start3A_15 = arith.constant 1 : i32
    %dma_start3A_16 = arith.constant 0 : i32
    %dma_start3A_17 = tpu.memref_slice %arg7[%dma_start3A_14, %dma_start3A_16] : memref<16x128xf32, #tpu.memory_space<vmem>> -> memref<1x128xf32, #tpu.memory_space<vmem>>
    %dma_start3A_18 = tpu.memref_squeeze %dma_start3A_17 : memref<1x128xf32, #tpu.memory_space<vmem>> -> memref<128xf32, #tpu.memory_space<vmem>>
    %dma_start3A_19 = arith.constant 0 : i32
    %dma_start3A_20 = tpu.memref_slice %arg6[%dma_start3A_15, %dma_start3A_19] : memref<16x128xi32, #tpu.memory_space<vmem>> -> memref<1x128xi32, #tpu.memory_space<vmem>>
    %dma_start3A_21 = tpu.memref_squeeze %dma_start3A_20 : memref<1x128xi32, #tpu.memory_space<vmem>> -> memref<128xi32, #tpu.memory_space<vmem>>
    %dma_start3A_22 = arith.constant 0 : i32
    %dma_start3A_23 = tpu.memref_slice %arg4[%dma_start3A_22] : memref<102400000xf32, #tpu.memory_space<hbm>> -> memref<102400000xf32, #tpu.memory_space<hbm>>
    tpu.enqueue_indirect_dma source(%dma_start3A_18 : memref<128xf32, #tpu.memory_space<vmem>>) target(%dma_start3A_23 : memref<102400000xf32, #tpu.memory_space<hbm>>) offsets(%dma_start3A_21 : memref<128xi32, #tpu.memory_space<vmem>>) semaphore(%arg8 : memref<!tpu.dma_semaphore, #tpu.memory_space<semaphore_mem>>)
    %dma_start3A_24 = arith.constant 2 : i32
    %dma_start3A_25 = arith.constant 2 : i32
    %dma_start3A_26 = arith.constant 0 : i32
    %dma_start3A_27 = tpu.memref_slice %arg7[%dma_start3A_24, %dma_start3A_26] : memref<16x128xf32, #tpu.memory_space<vmem>> -> memref<1x128xf32, #tpu.memory_space<vmem>>
    %dma_start3A_28 = tpu.memref_squeeze %dma_start3A_27 : memref<1x128xf32, #tpu.memory_space<vmem>> -> memref<128xf32, #tpu.memory_space<vmem>>
    %dma_start3A_29 = arith.constant 0 : i32
    %dma_start3A_30 = tpu.memref_slice %arg6[%dma_start3A_25, %dma_start3A_29] : memref<16x128xi32, #tpu.memory_space<vmem>> -> memref<1x128xi32, #tpu.memory_space<vmem>>
    %dma_start3A_31 = tpu.memref_squeeze %dma_start3A_30 : memref<1x128xi32, #tpu.memory_space<vmem>> -> memref<128xi32, #tpu.memory_space<vmem>>
    %dma_start3A_32 = arith.constant 0 : i32
    %dma_start3A_33 = tpu.memref_slice %arg4[%dma_start3A_32] : memref<102400000xf32, #tpu.memory_space<hbm>> -> memref<102400000xf32, #tpu.memory_space<hbm>>
    tpu.enqueue_indirect_dma source(%dma_start3A_28 : memref<128xf32, #tpu.memory_space<vmem>>) target(%dma_start3A_33 : memref<102400000xf32, #tpu.memory_space<hbm>>) offsets(%dma_start3A_31 : memref<128xi32, #tpu.memory_space<vmem>>) semaphore(%arg8 : memref<!tpu.dma_semaphore, #tpu.memory_space<semaphore_mem>>)
    %dma_start3A_34 = arith.constant 3 : i32
    %dma_start3A_35 = arith.constant 3 : i32
    %dma_start3A_36 = arith.constant 0 : i32
    %dma_start3A_37 = tpu.memref_slice %arg7[%dma_start3A_34, %dma_start3A_36] : memref<16x128xf32, #tpu.memory_space<vmem>> -> memref<1x128xf32, #tpu.memory_space<vmem>>
    %dma_start3A_38 = tpu.memref_squeeze %dma_start3A_37 : memref<1x128xf32, #tpu.memory_space<vmem>> -> memref<128xf32, #tpu.memory_space<vmem>>
    %dma_start3A_39 = arith.constant 0 : i32
    %dma_start3A_40 = tpu.memref_slice %arg6[%dma_start3A_35, %dma_start3A_39] : memref<16x128xi32, #tpu.memory_space<vmem>> -> memref<1x128xi32, #tpu.memory_space<vmem>>
    %dma_start3A_41 = tpu.memref_squeeze %dma_start3A_40 : memref<1x128xi32, #tpu.memory_space<vmem>> -> memref<128xi32, #tpu.memory_space<vmem>>
    %dma_start3A_42 = arith.constant 0 : i32
    %dma_start3A_43 = tpu.memref_slice %arg4[%dma_start3A_42] : memref<102400000xf32, #tpu.memory_space<hbm>> -> memref<102400000xf32, #tpu.memory_space<hbm>>
    tpu.enqueue_indirect_dma source(%dma_start3A_38 : memref<128xf32, #tpu.memory_space<vmem>>) target(%dma_start3A_43 : memref<102400000xf32, #tpu.memory_space<hbm>>) offsets(%dma_start3A_41 : memref<128xi32, #tpu.memory_space<vmem>>) semaphore(%arg8 : memref<!tpu.dma_semaphore, #tpu.memory_space<semaphore_mem>>)
    %dma_start3A_44 = arith.constant 4 : i32
    %dma_start3A_45 = arith.constant 4 : i32
    %dma_start3A_46 = arith.constant 0 : i32
    %dma_start3A_47 = tpu.memref_slice %arg7[%dma_start3A_44, %dma_start3A_46] : memref<16x128xf32, #tpu.memory_space<vmem>> -> memref<1x128xf32, #tpu.memory_space<vmem>>
    %dma_start3A_48 = tpu.memref_squeeze %dma_start3A_47 : memref<1x128xf32, #tpu.memory_space<vmem>> -> memref<128xf32, #tpu.memory_space<vmem>>
    %dma_start3A_49 = arith.constant 0 : i32
    %dma_start3A_50 = tpu.memref_slice %arg6[%dma_start3A_45, %dma_start3A_49] : memref<16x128xi32, #tpu.memory_space<vmem>> -> memref<1x128xi32, #tpu.memory_space<vmem>>
    %dma_start3A_51 = tpu.memref_squeeze %dma_start3A_50 : memref<1x128xi32, #tpu.memory_space<vmem>> -> memref<128xi32, #tpu.memory_space<vmem>>
    %dma_start3A_52 = arith.constant 0 : i32
    %dma_start3A_53 = tpu.memref_slice %arg4[%dma_start3A_52] : memref<102400000xf32, #tpu.memory_space<hbm>> -> memref<102400000xf32, #tpu.memory_space<hbm>>
    tpu.enqueue_indirect_dma source(%dma_start3A_48 : memref<128xf32, #tpu.memory_space<vmem>>) target(%dma_start3A_53 : memref<102400000xf32, #tpu.memory_space<hbm>>) offsets(%dma_start3A_51 : memref<128xi32, #tpu.memory_space<vmem>>) semaphore(%arg8 : memref<!tpu.dma_semaphore, #tpu.memory_space<semaphore_mem>>)
    %dma_start3A_54 = arith.constant 5 : i32
    %dma_start3A_55 = arith.constant 5 : i32
    %dma_start3A_56 = arith.constant 0 : i32
    %dma_start3A_57 = tpu.memref_slice %arg7[%dma_start3A_54, %dma_start3A_56] : memref<16x128xf32, #tpu.memory_space<vmem>> -> memref<1x128xf32, #tpu.memory_space<vmem>>
    %dma_start3A_58 = tpu.memref_squeeze %dma_start3A_57 : memref<1x128xf32, #tpu.memory_space<vmem>> -> memref<128xf32, #tpu.memory_space<vmem>>
    %dma_start3A_59 = arith.constant 0 : i32
    %dma_start3A_60 = tpu.memref_slice %arg6[%dma_start3A_55, %dma_start3A_59] : memref<16x128xi32, #tpu.memory_space<vmem>> -> memref<1x128xi32, #tpu.memory_space<vmem>>
    %dma_start3A_61 = tpu.memref_squeeze %dma_start3A_60 : memref<1x128xi32, #tpu.memory_space<vmem>> -> memref<128xi32, #tpu.memory_space<vmem>>
    %dma_start3A_62 = arith.constant 0 : i32
    %dma_start3A_63 = tpu.memref_slice %arg4[%dma_start3A_62] : memref<102400000xf32, #tpu.memory_space<hbm>> -> memref<102400000xf32, #tpu.memory_space<hbm>>
    tpu.enqueue_indirect_dma source(%dma_start3A_58 : memref<128xf32, #tpu.memory_space<vmem>>) target(%dma_start3A_63 : memref<102400000xf32, #tpu.memory_space<hbm>>) offsets(%dma_start3A_61 : memref<128xi32, #tpu.memory_space<vmem>>) semaphore(%arg8 : memref<!tpu.dma_semaphore, #tpu.memory_space<semaphore_mem>>)
    %dma_start3A_64 = arith.constant 6 : i32
    %dma_start3A_65 = arith.constant 6 : i32
    %dma_start3A_66 = arith.constant 0 : i32
    %dma_start3A_67 = tpu.memref_slice %arg7[%dma_start3A_64, %dma_start3A_66] : memref<16x128xf32, #tpu.memory_space<vmem>> -> memref<1x128xf32, #tpu.memory_space<vmem>>
    %dma_start3A_68 = tpu.memref_squeeze %dma_start3A_67 : memref<1x128xf32, #tpu.memory_space<vmem>> -> memref<128xf32, #tpu.memory_space<vmem>>
    %dma_start3A_69 = arith.constant 0 : i32
    %dma_start3A_70 = tpu.memref_slice %arg6[%dma_start3A_65, %dma_start3A_69] : memref<16x128xi32, #tpu.memory_space<vmem>> -> memref<1x128xi32, #tpu.memory_space<vmem>>
    %dma_start3A_71 = tpu.memref_squeeze %dma_start3A_70 : memref<1x128xi32, #tpu.memory_space<vmem>> -> memref<128xi32, #tpu.memory_space<vmem>>
    %dma_start3A_72 = arith.constant 0 : i32
    %dma_start3A_73 = tpu.memref_slice %arg4[%dma_start3A_72] : memref<102400000xf32, #tpu.memory_space<hbm>> -> memref<102400000xf32, #tpu.memory_space<hbm>>
    tpu.enqueue_indirect_dma source(%dma_start3A_68 : memref<128xf32, #tpu.memory_space<vmem>>) target(%dma_start3A_73 : memref<102400000xf32, #tpu.memory_space<hbm>>) offsets(%dma_start3A_71 : memref<128xi32, #tpu.memory_space<vmem>>) semaphore(%arg8 : memref<!tpu.dma_semaphore, #tpu.memory_space<semaphore_mem>>)
    %dma_start3A_74 = arith.constant 7 : i32
    %dma_start3A_75 = arith.constant 7 : i32
    %dma_start3A_76 = arith.constant 0 : i32
    %dma_start3A_77 = tpu.memref_slice %arg7[%dma_start3A_74, %dma_start3A_76] : memref<16x128xf32, #tpu.memory_space<vmem>> -> memref<1x128xf32, #tpu.memory_space<vmem>>
    %dma_start3A_78 = tpu.memref_squeeze %dma_start3A_77 : memref<1x128xf32, #tpu.memory_space<vmem>> -> memref<128xf32, #tpu.memory_space<vmem>>
    %dma_start3A_79 = arith.constant 0 : i32
    %dma_start3A_80 = tpu.memref_slice %arg6[%dma_start3A_75, %dma_start3A_79] : memref<16x128xi32, #tpu.memory_space<vmem>> -> memref<1x128xi32, #tpu.memory_space<vmem>>
    %dma_start3A_81 = tpu.memref_squeeze %dma_start3A_80 : memref<1x128xi32, #tpu.memory_space<vmem>> -> memref<128xi32, #tpu.memory_space<vmem>>
    %dma_start3A_82 = arith.constant 0 : i32
    %dma_start3A_83 = tpu.memref_slice %arg4[%dma_start3A_82] : memref<102400000xf32, #tpu.memory_space<hbm>> -> memref<102400000xf32, #tpu.memory_space<hbm>>
    tpu.enqueue_indirect_dma source(%dma_start3A_78 : memref<128xf32, #tpu.memory_space<vmem>>) target(%dma_start3A_83 : memref<102400000xf32, #tpu.memory_space<hbm>>) offsets(%dma_start3A_81 : memref<128xi32, #tpu.memory_space<vmem>>) semaphore(%arg8 : memref<!tpu.dma_semaphore, #tpu.memory_space<semaphore_mem>>)
    %dma_start3A_84 = arith.constant 8 : i32
    %dma_start3A_85 = arith.constant 8 : i32
    %dma_start3A_86 = arith.constant 0 : i32
    %dma_start3A_87 = tpu.memref_slice %arg7[%dma_start3A_84, %dma_start3A_86] : memref<16x128xf32, #tpu.memory_space<vmem>> -> memref<1x128xf32, #tpu.memory_space<vmem>>
    %dma_start3A_88 = tpu.memref_squeeze %dma_start3A_87 : memref<1x128xf32, #tpu.memory_space<vmem>> -> memref<128xf32, #tpu.memory_space<vmem>>
    %dma_start3A_89 = arith.constant 0 : i32
    %dma_start3A_90 = tpu.memref_slice %arg6[%dma_start3A_85, %dma_start3A_89] : memref<16x128xi32, #tpu.memory_space<vmem>> -> memref<1x128xi32, #tpu.memory_space<vmem>>
    %dma_start3A_91 = tpu.memref_squeeze %dma_start3A_90 : memref<1x128xi32, #tpu.memory_space<vmem>> -> memref<128xi32, #tpu.memory_space<vmem>>
    %dma_start3A_92 = arith.constant 0 : i32
    %dma_start3A_93 = tpu.memref_slice %arg4[%dma_start3A_92] : memref<102400000xf32, #tpu.memory_space<hbm>> -> memref<102400000xf32, #tpu.memory_space<hbm>>
    tpu.enqueue_indirect_dma source(%dma_start3A_88 : memref<128xf32, #tpu.memory_space<vmem>>) target(%dma_start3A_93 : memref<102400000xf32, #tpu.memory_space<hbm>>) offsets(%dma_start3A_91 : memref<128xi32, #tpu.memory_space<vmem>>) semaphore(%arg8 : memref<!tpu.dma_semaphore, #tpu.memory_space<semaphore_mem>>)
    %dma_start3A_94 = arith.constant 9 : i32
    %dma_start3A_95 = arith.constant 9 : i32
    %dma_start3A_96 = arith.constant 0 : i32
    %dma_start3A_97 = tpu.memref_slice %arg7[%dma_start3A_94, %dma_start3A_96] : memref<16x128xf32, #tpu.memory_space<vmem>> -> memref<1x128xf32, #tpu.memory_space<vmem>>
    %dma_start3A_98 = tpu.memref_squeeze %dma_start3A_97 : memref<1x128xf32, #tpu.memory_space<vmem>> -> memref<128xf32, #tpu.memory_space<vmem>>
    %dma_start3A_99 = arith.constant 0 : i32
    %dma_start3A_100 = tpu.memref_slice %arg6[%dma_start3A_95, %dma_start3A_99] : memref<16x128xi32, #tpu.memory_space<vmem>> -> memref<1x128xi32, #tpu.memory_space<vmem>>
    %dma_start3A_101 = tpu.memref_squeeze %dma_start3A_100 : memref<1x128xi32, #tpu.memory_space<vmem>> -> memref<128xi32, #tpu.memory_space<vmem>>
    %dma_start3A_102 = arith.constant 0 : i32
    %dma_start3A_103 = tpu.memref_slice %arg4[%dma_start3A_102] : memref<102400000xf32, #tpu.memory_space<hbm>> -> memref<102400000xf32, #tpu.memory_space<hbm>>
    tpu.enqueue_indirect_dma source(%dma_start3A_98 : memref<128xf32, #tpu.memory_space<vmem>>) target(%dma_start3A_103 : memref<102400000xf32, #tpu.memory_space<hbm>>) offsets(%dma_start3A_101 : memref<128xi32, #tpu.memory_space<vmem>>) semaphore(%arg8 : memref<!tpu.dma_semaphore, #tpu.memory_space<semaphore_mem>>)
    %dma_start3A_104 = arith.constant 10 : i32
    %dma_start3A_105 = arith.constant 10 : i32
    %dma_start3A_106 = arith.constant 0 : i32
    %dma_start3A_107 = tpu.memref_slice %arg7[%dma_start3A_104, %dma_start3A_106] : memref<16x128xf32, #tpu.memory_space<vmem>> -> memref<1x128xf32, #tpu.memory_space<vmem>>
    %dma_start3A_108 = tpu.memref_squeeze %dma_start3A_107 : memref<1x128xf32, #tpu.memory_space<vmem>> -> memref<128xf32, #tpu.memory_space<vmem>>
    %dma_start3A_109 = arith.constant 0 : i32
    %dma_start3A_110 = tpu.memref_slice %arg6[%dma_start3A_105, %dma_start3A_109] : memref<16x128xi32, #tpu.memory_space<vmem>> -> memref<1x128xi32, #tpu.memory_space<vmem>>
    %dma_start3A_111 = tpu.memref_squeeze %dma_start3A_110 : memref<1x128xi32, #tpu.memory_space<vmem>> -> memref<128xi32, #tpu.memory_space<vmem>>
    %dma_start3A_112 = arith.constant 0 : i32
    %dma_start3A_113 = tpu.memref_slice %arg4[%dma_start3A_112] : memref<102400000xf32, #tpu.memory_space<hbm>> -> memref<102400000xf32, #tpu.memory_space<hbm>>
    tpu.enqueue_indirect_dma source(%dma_start3A_108 : memref<128xf32, #tpu.memory_space<vmem>>) target(%dma_start3A_113 : memref<102400000xf32, #tpu.memory_space<hbm>>) offsets(%dma_start3A_111 : memref<128xi32, #tpu.memory_space<vmem>>) semaphore(%arg8 : memref<!tpu.dma_semaphore, #tpu.memory_space<semaphore_mem>>)
    %dma_start3A_114 = arith.constant 11 : i32
    %dma_start3A_115 = arith.constant 11 : i32
    %dma_start3A_116 = arith.constant 0 : i32
    %dma_start3A_117 = tpu.memref_slice %arg7[%dma_start3A_114, %dma_start3A_116] : memref<16x128xf32, #tpu.memory_space<vmem>> -> memref<1x128xf32, #tpu.memory_space<vmem>>
    %dma_start3A_118 = tpu.memref_squeeze %dma_start3A_117 : memref<1x128xf32, #tpu.memory_space<vmem>> -> memref<128xf32, #tpu.memory_space<vmem>>
    %dma_start3A_119 = arith.constant 0 : i32
    %dma_start3A_120 = tpu.memref_slice %arg6[%dma_start3A_115, %dma_start3A_119] : memref<16x128xi32, #tpu.memory_space<vmem>> -> memref<1x128xi32, #tpu.memory_space<vmem>>
    %dma_start3A_121 = tpu.memref_squeeze %dma_start3A_120 : memref<1x128xi32, #tpu.memory_space<vmem>> -> memref<128xi32, #tpu.memory_space<vmem>>
    %dma_start3A_122 = arith.constant 0 : i32
    %dma_start3A_123 = tpu.memref_slice %arg4[%dma_start3A_122] : memref<102400000xf32, #tpu.memory_space<hbm>> -> memref<102400000xf32, #tpu.memory_space<hbm>>
    tpu.enqueue_indirect_dma source(%dma_start3A_118 : memref<128xf32, #tpu.memory_space<vmem>>) target(%dma_start3A_123 : memref<102400000xf32, #tpu.memory_space<hbm>>) offsets(%dma_start3A_121 : memref<128xi32, #tpu.memory_space<vmem>>) semaphore(%arg8 : memref<!tpu.dma_semaphore, #tpu.memory_space<semaphore_mem>>)
    %dma_start3A_124 = arith.constant 12 : i32
    %dma_start3A_125 = arith.constant 12 : i32
    %dma_start3A_126 = arith.constant 0 : i32
    %dma_start3A_127 = tpu.memref_slice %arg7[%dma_start3A_124, %dma_start3A_126] : memref<16x128xf32, #tpu.memory_space<vmem>> -> memref<1x128xf32, #tpu.memory_space<vmem>>
    %dma_start3A_128 = tpu.memref_squeeze %dma_start3A_127 : memref<1x128xf32, #tpu.memory_space<vmem>> -> memref<128xf32, #tpu.memory_space<vmem>>
    %dma_start3A_129 = arith.constant 0 : i32
    %dma_start3A_130 = tpu.memref_slice %arg6[%dma_start3A_125, %dma_start3A_129] : memref<16x128xi32, #tpu.memory_space<vmem>> -> memref<1x128xi32, #tpu.memory_space<vmem>>
    %dma_start3A_131 = tpu.memref_squeeze %dma_start3A_130 : memref<1x128xi32, #tpu.memory_space<vmem>> -> memref<128xi32, #tpu.memory_space<vmem>>
    %dma_start3A_132 = arith.constant 0 : i32
    %dma_start3A_133 = tpu.memref_slice %arg4[%dma_start3A_132] : memref<102400000xf32, #tpu.memory_space<hbm>> -> memref<102400000xf32, #tpu.memory_space<hbm>>
    tpu.enqueue_indirect_dma source(%dma_start3A_128 : memref<128xf32, #tpu.memory_space<vmem>>) target(%dma_start3A_133 : memref<102400000xf32, #tpu.memory_space<hbm>>) offsets(%dma_start3A_131 : memref<128xi32, #tpu.memory_space<vmem>>) semaphore(%arg8 : memref<!tpu.dma_semaphore, #tpu.memory_space<semaphore_mem>>)
    %dma_start3A_134 = arith.constant 13 : i32
    %dma_start3A_135 = arith.constant 13 : i32
    %dma_start3A_136 = arith.constant 0 : i32
    %dma_start3A_137 = tpu.memref_slice %arg7[%dma_start3A_134, %dma_start3A_136] : memref<16x128xf32, #tpu.memory_space<vmem>> -> memref<1x128xf32, #tpu.memory_space<vmem>>
    %dma_start3A_138 = tpu.memref_squeeze %dma_start3A_137 : memref<1x128xf32, #tpu.memory_space<vmem>> -> memref<128xf32, #tpu.memory_space<vmem>>
    %dma_start3A_139 = arith.constant 0 : i32
    %dma_start3A_140 = tpu.memref_slice %arg6[%dma_start3A_135, %dma_start3A_139] : memref<16x128xi32, #tpu.memory_space<vmem>> -> memref<1x128xi32, #tpu.memory_space<vmem>>
    %dma_start3A_141 = tpu.memref_squeeze %dma_start3A_140 : memref<1x128xi32, #tpu.memory_space<vmem>> -> memref<128xi32, #tpu.memory_space<vmem>>
    %dma_start3A_142 = arith.constant 0 : i32
    %dma_start3A_143 = tpu.memref_slice %arg4[%dma_start3A_142] : memref<102400000xf32, #tpu.memory_space<hbm>> -> memref<102400000xf32, #tpu.memory_space<hbm>>
    tpu.enqueue_indirect_dma source(%dma_start3A_138 : memref<128xf32, #tpu.memory_space<vmem>>) target(%dma_start3A_143 : memref<102400000xf32, #tpu.memory_space<hbm>>) offsets(%dma_start3A_141 : memref<128xi32, #tpu.memory_space<vmem>>) semaphore(%arg8 : memref<!tpu.dma_semaphore, #tpu.memory_space<semaphore_mem>>)
    %dma_start3A_144 = arith.constant 14 : i32
    %dma_start3A_145 = arith.constant 14 : i32
    %dma_start3A_146 = arith.constant 0 : i32
    %dma_start3A_147 = tpu.memref_slice %arg7[%dma_start3A_144, %dma_start3A_146] : memref<16x128xf32, #tpu.memory_space<vmem>> -> memref<1x128xf32, #tpu.memory_space<vmem>>
    %dma_start3A_148 = tpu.memref_squeeze %dma_start3A_147 : memref<1x128xf32, #tpu.memory_space<vmem>> -> memref<128xf32, #tpu.memory_space<vmem>>
    %dma_start3A_149 = arith.constant 0 : i32
    %dma_start3A_150 = tpu.memref_slice %arg6[%dma_start3A_145, %dma_start3A_149] : memref<16x128xi32, #tpu.memory_space<vmem>> -> memref<1x128xi32, #tpu.memory_space<vmem>>
    %dma_start3A_151 = tpu.memref_squeeze %dma_start3A_150 : memref<1x128xi32, #tpu.memory_space<vmem>> -> memref<128xi32, #tpu.memory_space<vmem>>
    %dma_start3A_152 = arith.constant 0 : i32
    %dma_start3A_153 = tpu.memref_slice %arg4[%dma_start3A_152] : memref<102400000xf32, #tpu.memory_space<hbm>> -> memref<102400000xf32, #tpu.memory_space<hbm>>
    tpu.enqueue_indirect_dma source(%dma_start3A_148 : memref<128xf32, #tpu.memory_space<vmem>>) target(%dma_start3A_153 : memref<102400000xf32, #tpu.memory_space<hbm>>) offsets(%dma_start3A_151 : memref<128xi32, #tpu.memory_space<vmem>>) semaphore(%arg8 : memref<!tpu.dma_semaphore, #tpu.memory_space<semaphore_mem>>)
    %dma_start3A_154 = arith.constant 15 : i32
    %dma_start3A_155 = arith.constant 15 : i32
    %dma_start3A_156 = arith.constant 0 : i32
    %dma_start3A_157 = tpu.memref_slice %arg7[%dma_start3A_154, %dma_start3A_156] : memref<16x128xf32, #tpu.memory_space<vmem>> -> memref<1x128xf32, #tpu.memory_space<vmem>>
    %dma_start3A_158 = tpu.memref_squeeze %dma_start3A_157 : memref<1x128xf32, #tpu.memory_space<vmem>> -> memref<128xf32, #tpu.memory_space<vmem>>
    %dma_start3A_159 = arith.constant 0 : i32
    %dma_start3A_160 = tpu.memref_slice %arg6[%dma_start3A_155, %dma_start3A_159] : memref<16x128xi32, #tpu.memory_space<vmem>> -> memref<1x128xi32, #tpu.memory_space<vmem>>
    %dma_start3A_161 = tpu.memref_squeeze %dma_start3A_160 : memref<1x128xi32, #tpu.memory_space<vmem>> -> memref<128xi32, #tpu.memory_space<vmem>>
    %dma_start3A_162 = arith.constant 0 : i32
    %dma_start3A_163 = tpu.memref_slice %arg4[%dma_start3A_162] : memref<102400000xf32, #tpu.memory_space<hbm>> -> memref<102400000xf32, #tpu.memory_space<hbm>>
    tpu.enqueue_indirect_dma source(%dma_start3A_158 : memref<128xf32, #tpu.memory_space<vmem>>) target(%dma_start3A_163 : memref<102400000xf32, #tpu.memory_space<hbm>>) offsets(%dma_start3A_161 : memref<128xi32, #tpu.memory_space<vmem>>) semaphore(%arg8 : memref<!tpu.dma_semaphore, #tpu.memory_space<semaphore_mem>>)
    %dma_wait3A = arith.constant 0 : i32
    %dma_wait3A_164 = arith.constant 0 : i32
    %dma_wait3A_165 = arith.constant 0 : i32
    %dma_wait3A_166 = tpu.memref_slice %arg7[%dma_wait3A, %dma_wait3A_165] : memref<16x128xf32, #tpu.memory_space<vmem>> -> memref<1x128xf32, #tpu.memory_space<vmem>>
    %dma_wait3A_167 = tpu.memref_squeeze %dma_wait3A_166 : memref<1x128xf32, #tpu.memory_space<vmem>> -> memref<128xf32, #tpu.memory_space<vmem>>
    %dma_wait3A_168 = arith.constant 0 : i32
    %dma_wait3A_169 = tpu.memref_slice %arg6[%dma_wait3A_164, %dma_wait3A_168] : memref<16x128xi32, #tpu.memory_space<vmem>> -> memref<1x128xi32, #tpu.memory_space<vmem>>
    %dma_wait3A_170 = tpu.memref_squeeze %dma_wait3A_169 : memref<1x128xi32, #tpu.memory_space<vmem>> -> memref<128xi32, #tpu.memory_space<vmem>>
    %dma_wait3A_171 = arith.constant 0 : i32
    %dma_wait3A_172 = tpu.memref_slice %arg4[%dma_wait3A_171] : memref<102400000xf32, #tpu.memory_space<hbm>> -> memref<102400000xf32, #tpu.memory_space<hbm>>
    tpu.wait_indirect_dma semaphore(%arg8 : memref<!tpu.dma_semaphore, #tpu.memory_space<semaphore_mem>>) src(%dma_wait3A_167 : memref<128xf32, #tpu.memory_space<vmem>>) dst(%dma_wait3A_172 : memref<102400000xf32, #tpu.memory_space<hbm>>)
    %dma_wait3A_173 = arith.constant 1 : i32
    %dma_wait3A_174 = arith.constant 1 : i32
    %dma_wait3A_175 = arith.constant 0 : i32
    %dma_wait3A_176 = tpu.memref_slice %arg7[%dma_wait3A_173, %dma_wait3A_175] : memref<16x128xf32, #tpu.memory_space<vmem>> -> memref<1x128xf32, #tpu.memory_space<vmem>>
    %dma_wait3A_177 = tpu.memref_squeeze %dma_wait3A_176 : memref<1x128xf32, #tpu.memory_space<vmem>> -> memref<128xf32, #tpu.memory_space<vmem>>
    %dma_wait3A_178 = arith.constant 0 : i32
    %dma_wait3A_179 = tpu.memref_slice %arg6[%dma_wait3A_174, %dma_wait3A_178] : memref<16x128xi32, #tpu.memory_space<vmem>> -> memref<1x128xi32, #tpu.memory_space<vmem>>
    %dma_wait3A_180 = tpu.memref_squeeze %dma_wait3A_179 : memref<1x128xi32, #tpu.memory_space<vmem>> -> memref<128xi32, #tpu.memory_space<vmem>>
    %dma_wait3A_181 = arith.constant 0 : i32
    %dma_wait3A_182 = tpu.memref_slice %arg4[%dma_wait3A_181] : memref<102400000xf32, #tpu.memory_space<hbm>> -> memref<102400000xf32, #tpu.memory_space<hbm>>
    tpu.wait_indirect_dma semaphore(%arg8 : memref<!tpu.dma_semaphore, #tpu.memory_space<semaphore_mem>>) src(%dma_wait3A_177 : memref<128xf32, #tpu.memory_space<vmem>>) dst(%dma_wait3A_182 : memref<102400000xf32, #tpu.memory_space<hbm>>)
    %dma_wait3A_183 = arith.constant 2 : i32
    %dma_wait3A_184 = arith.constant 2 : i32
    %dma_wait3A_185 = arith.constant 0 : i32
    %dma_wait3A_186 = tpu.memref_slice %arg7[%dma_wait3A_183, %dma_wait3A_185] : memref<16x128xf32, #tpu.memory_space<vmem>> -> memref<1x128xf32, #tpu.memory_space<vmem>>
    %dma_wait3A_187 = tpu.memref_squeeze %dma_wait3A_186 : memref<1x128xf32, #tpu.memory_space<vmem>> -> memref<128xf32, #tpu.memory_space<vmem>>
    %dma_wait3A_188 = arith.constant 0 : i32
    %dma_wait3A_189 = tpu.memref_slice %arg6[%dma_wait3A_184, %dma_wait3A_188] : memref<16x128xi32, #tpu.memory_space<vmem>> -> memref<1x128xi32, #tpu.memory_space<vmem>>
    %dma_wait3A_190 = tpu.memref_squeeze %dma_wait3A_189 : memref<1x128xi32, #tpu.memory_space<vmem>> -> memref<128xi32, #tpu.memory_space<vmem>>
    %dma_wait3A_191 = arith.constant 0 : i32
    %dma_wait3A_192 = tpu.memref_slice %arg4[%dma_wait3A_191] : memref<102400000xf32, #tpu.memory_space<hbm>> -> memref<102400000xf32, #tpu.memory_space<hbm>>
    tpu.wait_indirect_dma semaphore(%arg8 : memref<!tpu.dma_semaphore, #tpu.memory_space<semaphore_mem>>) src(%dma_wait3A_187 : memref<128xf32, #tpu.memory_space<vmem>>) dst(%dma_wait3A_192 : memref<102400000xf32, #tpu.memory_space<hbm>>)
    %dma_wait3A_193 = arith.constant 3 : i32
    %dma_wait3A_194 = arith.constant 3 : i32
    %dma_wait3A_195 = arith.constant 0 : i32
    %dma_wait3A_196 = tpu.memref_slice %arg7[%dma_wait3A_193, %dma_wait3A_195] : memref<16x128xf32, #tpu.memory_space<vmem>> -> memref<1x128xf32, #tpu.memory_space<vmem>>
    %dma_wait3A_197 = tpu.memref_squeeze %dma_wait3A_196 : memref<1x128xf32, #tpu.memory_space<vmem>> -> memref<128xf32, #tpu.memory_space<vmem>>
    %dma_wait3A_198 = arith.constant 0 : i32
    %dma_wait3A_199 = tpu.memref_slice %arg6[%dma_wait3A_194, %dma_wait3A_198] : memref<16x128xi32, #tpu.memory_space<vmem>> -> memref<1x128xi32, #tpu.memory_space<vmem>>
    %dma_wait3A_200 = tpu.memref_squeeze %dma_wait3A_199 : memref<1x128xi32, #tpu.memory_space<vmem>> -> memref<128xi32, #tpu.memory_space<vmem>>
    %dma_wait3A_201 = arith.constant 0 : i32
    %dma_wait3A_202 = tpu.memref_slice %arg4[%dma_wait3A_201] : memref<102400000xf32, #tpu.memory_space<hbm>> -> memref<102400000xf32, #tpu.memory_space<hbm>>
    tpu.wait_indirect_dma semaphore(%arg8 : memref<!tpu.dma_semaphore, #tpu.memory_space<semaphore_mem>>) src(%dma_wait3A_197 : memref<128xf32, #tpu.memory_space<vmem>>) dst(%dma_wait3A_202 : memref<102400000xf32, #tpu.memory_space<hbm>>)
    %dma_wait3A_203 = arith.constant 4 : i32
    %dma_wait3A_204 = arith.constant 4 : i32
    %dma_wait3A_205 = arith.constant 0 : i32
    %dma_wait3A_206 = tpu.memref_slice %arg7[%dma_wait3A_203, %dma_wait3A_205] : memref<16x128xf32, #tpu.memory_space<vmem>> -> memref<1x128xf32, #tpu.memory_space<vmem>>
    %dma_wait3A_207 = tpu.memref_squeeze %dma_wait3A_206 : memref<1x128xf32, #tpu.memory_space<vmem>> -> memref<128xf32, #tpu.memory_space<vmem>>
    %dma_wait3A_208 = arith.constant 0 : i32
    %dma_wait3A_209 = tpu.memref_slice %arg6[%dma_wait3A_204, %dma_wait3A_208] : memref<16x128xi32, #tpu.memory_space<vmem>> -> memref<1x128xi32, #tpu.memory_space<vmem>>
    %dma_wait3A_210 = tpu.memref_squeeze %dma_wait3A_209 : memref<1x128xi32, #tpu.memory_space<vmem>> -> memref<128xi32, #tpu.memory_space<vmem>>
    %dma_wait3A_211 = arith.constant 0 : i32
    %dma_wait3A_212 = tpu.memref_slice %arg4[%dma_wait3A_211] : memref<102400000xf32, #tpu.memory_space<hbm>> -> memref<102400000xf32, #tpu.memory_space<hbm>>
    tpu.wait_indirect_dma semaphore(%arg8 : memref<!tpu.dma_semaphore, #tpu.memory_space<semaphore_mem>>) src(%dma_wait3A_207 : memref<128xf32, #tpu.memory_space<vmem>>) dst(%dma_wait3A_212 : memref<102400000xf32, #tpu.memory_space<hbm>>)
    %dma_wait3A_213 = arith.constant 5 : i32
    %dma_wait3A_214 = arith.constant 5 : i32
    %dma_wait3A_215 = arith.constant 0 : i32
    %dma_wait3A_216 = tpu.memref_slice %arg7[%dma_wait3A_213, %dma_wait3A_215] : memref<16x128xf32, #tpu.memory_space<vmem>> -> memref<1x128xf32, #tpu.memory_space<vmem>>
    %dma_wait3A_217 = tpu.memref_squeeze %dma_wait3A_216 : memref<1x128xf32, #tpu.memory_space<vmem>> -> memref<128xf32, #tpu.memory_space<vmem>>
    %dma_wait3A_218 = arith.constant 0 : i32
    %dma_wait3A_219 = tpu.memref_slice %arg6[%dma_wait3A_214, %dma_wait3A_218] : memref<16x128xi32, #tpu.memory_space<vmem>> -> memref<1x128xi32, #tpu.memory_space<vmem>>
    %dma_wait3A_220 = tpu.memref_squeeze %dma_wait3A_219 : memref<1x128xi32, #tpu.memory_space<vmem>> -> memref<128xi32, #tpu.memory_space<vmem>>
    %dma_wait3A_221 = arith.constant 0 : i32
    %dma_wait3A_222 = tpu.memref_slice %arg4[%dma_wait3A_221] : memref<102400000xf32, #tpu.memory_space<hbm>> -> memref<102400000xf32, #tpu.memory_space<hbm>>
    tpu.wait_indirect_dma semaphore(%arg8 : memref<!tpu.dma_semaphore, #tpu.memory_space<semaphore_mem>>) src(%dma_wait3A_217 : memref<128xf32, #tpu.memory_space<vmem>>) dst(%dma_wait3A_222 : memref<102400000xf32, #tpu.memory_space<hbm>>)
    %dma_wait3A_223 = arith.constant 6 : i32
    %dma_wait3A_224 = arith.constant 6 : i32
    %dma_wait3A_225 = arith.constant 0 : i32
    %dma_wait3A_226 = tpu.memref_slice %arg7[%dma_wait3A_223, %dma_wait3A_225] : memref<16x128xf32, #tpu.memory_space<vmem>> -> memref<1x128xf32, #tpu.memory_space<vmem>>
    %dma_wait3A_227 = tpu.memref_squeeze %dma_wait3A_226 : memref<1x128xf32, #tpu.memory_space<vmem>> -> memref<128xf32, #tpu.memory_space<vmem>>
    %dma_wait3A_228 = arith.constant 0 : i32
    %dma_wait3A_229 = tpu.memref_slice %arg6[%dma_wait3A_224, %dma_wait3A_228] : memref<16x128xi32, #tpu.memory_space<vmem>> -> memref<1x128xi32, #tpu.memory_space<vmem>>
    %dma_wait3A_230 = tpu.memref_squeeze %dma_wait3A_229 : memref<1x128xi32, #tpu.memory_space<vmem>> -> memref<128xi32, #tpu.memory_space<vmem>>
    %dma_wait3A_231 = arith.constant 0 : i32
    %dma_wait3A_232 = tpu.memref_slice %arg4[%dma_wait3A_231] : memref<102400000xf32, #tpu.memory_space<hbm>> -> memref<102400000xf32, #tpu.memory_space<hbm>>
    tpu.wait_indirect_dma semaphore(%arg8 : memref<!tpu.dma_semaphore, #tpu.memory_space<semaphore_mem>>) src(%dma_wait3A_227 : memref<128xf32, #tpu.memory_space<vmem>>) dst(%dma_wait3A_232 : memref<102400000xf32, #tpu.memory_space<hbm>>)
    %dma_wait3A_233 = arith.constant 7 : i32
    %dma_wait3A_234 = arith.constant 7 : i32
    %dma_wait3A_235 = arith.constant 0 : i32
    %dma_wait3A_236 = tpu.memref_slice %arg7[%dma_wait3A_233, %dma_wait3A_235] : memref<16x128xf32, #tpu.memory_space<vmem>> -> memref<1x128xf32, #tpu.memory_space<vmem>>
    %dma_wait3A_237 = tpu.memref_squeeze %dma_wait3A_236 : memref<1x128xf32, #tpu.memory_space<vmem>> -> memref<128xf32, #tpu.memory_space<vmem>>
    %dma_wait3A_238 = arith.constant 0 : i32
    %dma_wait3A_239 = tpu.memref_slice %arg6[%dma_wait3A_234, %dma_wait3A_238] : memref<16x128xi32, #tpu.memory_space<vmem>> -> memref<1x128xi32, #tpu.memory_space<vmem>>
    %dma_wait3A_240 = tpu.memref_squeeze %dma_wait3A_239 : memref<1x128xi32, #tpu.memory_space<vmem>> -> memref<128xi32, #tpu.memory_space<vmem>>
    %dma_wait3A_241 = arith.constant 0 : i32
    %dma_wait3A_242 = tpu.memref_slice %arg4[%dma_wait3A_241] : memref<102400000xf32, #tpu.memory_space<hbm>> -> memref<102400000xf32, #tpu.memory_space<hbm>>
    tpu.wait_indirect_dma semaphore(%arg8 : memref<!tpu.dma_semaphore, #tpu.memory_space<semaphore_mem>>) src(%dma_wait3A_237 : memref<128xf32, #tpu.memory_space<vmem>>) dst(%dma_wait3A_242 : memref<102400000xf32, #tpu.memory_space<hbm>>)
    %dma_wait3A_243 = arith.constant 8 : i32
    %dma_wait3A_244 = arith.constant 8 : i32
    %dma_wait3A_245 = arith.constant 0 : i32
    %dma_wait3A_246 = tpu.memref_slice %arg7[%dma_wait3A_243, %dma_wait3A_245] : memref<16x128xf32, #tpu.memory_space<vmem>> -> memref<1x128xf32, #tpu.memory_space<vmem>>
    %dma_wait3A_247 = tpu.memref_squeeze %dma_wait3A_246 : memref<1x128xf32, #tpu.memory_space<vmem>> -> memref<128xf32, #tpu.memory_space<vmem>>
    %dma_wait3A_248 = arith.constant 0 : i32
    %dma_wait3A_249 = tpu.memref_slice %arg6[%dma_wait3A_244, %dma_wait3A_248] : memref<16x128xi32, #tpu.memory_space<vmem>> -> memref<1x128xi32, #tpu.memory_space<vmem>>
    %dma_wait3A_250 = tpu.memref_squeeze %dma_wait3A_249 : memref<1x128xi32, #tpu.memory_space<vmem>> -> memref<128xi32, #tpu.memory_space<vmem>>
    %dma_wait3A_251 = arith.constant 0 : i32
    %dma_wait3A_252 = tpu.memref_slice %arg4[%dma_wait3A_251] : memref<102400000xf32, #tpu.memory_space<hbm>> -> memref<102400000xf32, #tpu.memory_space<hbm>>
    tpu.wait_indirect_dma semaphore(%arg8 : memref<!tpu.dma_semaphore, #tpu.memory_space<semaphore_mem>>) src(%dma_wait3A_247 : memref<128xf32, #tpu.memory_space<vmem>>) dst(%dma_wait3A_252 : memref<102400000xf32, #tpu.memory_space<hbm>>)
    %dma_wait3A_253 = arith.constant 9 : i32
    %dma_wait3A_254 = arith.constant 9 : i32
    %dma_wait3A_255 = arith.constant 0 : i32
    %dma_wait3A_256 = tpu.memref_slice %arg7[%dma_wait3A_253, %dma_wait3A_255] : memref<16x128xf32, #tpu.memory_space<vmem>> -> memref<1x128xf32, #tpu.memory_space<vmem>>
    %dma_wait3A_257 = tpu.memref_squeeze %dma_wait3A_256 : memref<1x128xf32, #tpu.memory_space<vmem>> -> memref<128xf32, #tpu.memory_space<vmem>>
    %dma_wait3A_258 = arith.constant 0 : i32
    %dma_wait3A_259 = tpu.memref_slice %arg6[%dma_wait3A_254, %dma_wait3A_258] : memref<16x128xi32, #tpu.memory_space<vmem>> -> memref<1x128xi32, #tpu.memory_space<vmem>>
    %dma_wait3A_260 = tpu.memref_squeeze %dma_wait3A_259 : memref<1x128xi32, #tpu.memory_space<vmem>> -> memref<128xi32, #tpu.memory_space<vmem>>
    %dma_wait3A_261 = arith.constant 0 : i32
    %dma_wait3A_262 = tpu.memref_slice %arg4[%dma_wait3A_261] : memref<102400000xf32, #tpu.memory_space<hbm>> -> memref<102400000xf32, #tpu.memory_space<hbm>>
    tpu.wait_indirect_dma semaphore(%arg8 : memref<!tpu.dma_semaphore, #tpu.memory_space<semaphore_mem>>) src(%dma_wait3A_257 : memref<128xf32, #tpu.memory_space<vmem>>) dst(%dma_wait3A_262 : memref<102400000xf32, #tpu.memory_space<hbm>>)
    %dma_wait3A_263 = arith.constant 10 : i32
    %dma_wait3A_264 = arith.constant 10 : i32
    %dma_wait3A_265 = arith.constant 0 : i32
    %dma_wait3A_266 = tpu.memref_slice %arg7[%dma_wait3A_263, %dma_wait3A_265] : memref<16x128xf32, #tpu.memory_space<vmem>> -> memref<1x128xf32, #tpu.memory_space<vmem>>
    %dma_wait3A_267 = tpu.memref_squeeze %dma_wait3A_266 : memref<1x128xf32, #tpu.memory_space<vmem>> -> memref<128xf32, #tpu.memory_space<vmem>>
    %dma_wait3A_268 = arith.constant 0 : i32
    %dma_wait3A_269 = tpu.memref_slice %arg6[%dma_wait3A_264, %dma_wait3A_268] : memref<16x128xi32, #tpu.memory_space<vmem>> -> memref<1x128xi32, #tpu.memory_space<vmem>>
    %dma_wait3A_270 = tpu.memref_squeeze %dma_wait3A_269 : memref<1x128xi32, #tpu.memory_space<vmem>> -> memref<128xi32, #tpu.memory_space<vmem>>
    %dma_wait3A_271 = arith.constant 0 : i32
    %dma_wait3A_272 = tpu.memref_slice %arg4[%dma_wait3A_271] : memref<102400000xf32, #tpu.memory_space<hbm>> -> memref<102400000xf32, #tpu.memory_space<hbm>>
    tpu.wait_indirect_dma semaphore(%arg8 : memref<!tpu.dma_semaphore, #tpu.memory_space<semaphore_mem>>) src(%dma_wait3A_267 : memref<128xf32, #tpu.memory_space<vmem>>) dst(%dma_wait3A_272 : memref<102400000xf32, #tpu.memory_space<hbm>>)
    %dma_wait3A_273 = arith.constant 11 : i32
    %dma_wait3A_274 = arith.constant 11 : i32
    %dma_wait3A_275 = arith.constant 0 : i32
    %dma_wait3A_276 = tpu.memref_slice %arg7[%dma_wait3A_273, %dma_wait3A_275] : memref<16x128xf32, #tpu.memory_space<vmem>> -> memref<1x128xf32, #tpu.memory_space<vmem>>
    %dma_wait3A_277 = tpu.memref_squeeze %dma_wait3A_276 : memref<1x128xf32, #tpu.memory_space<vmem>> -> memref<128xf32, #tpu.memory_space<vmem>>
    %dma_wait3A_278 = arith.constant 0 : i32
    %dma_wait3A_279 = tpu.memref_slice %arg6[%dma_wait3A_274, %dma_wait3A_278] : memref<16x128xi32, #tpu.memory_space<vmem>> -> memref<1x128xi32, #tpu.memory_space<vmem>>
    %dma_wait3A_280 = tpu.memref_squeeze %dma_wait3A_279 : memref<1x128xi32, #tpu.memory_space<vmem>> -> memref<128xi32, #tpu.memory_space<vmem>>
    %dma_wait3A_281 = arith.constant 0 : i32
    %dma_wait3A_282 = tpu.memref_slice %arg4[%dma_wait3A_281] : memref<102400000xf32, #tpu.memory_space<hbm>> -> memref<102400000xf32, #tpu.memory_space<hbm>>
    tpu.wait_indirect_dma semaphore(%arg8 : memref<!tpu.dma_semaphore, #tpu.memory_space<semaphore_mem>>) src(%dma_wait3A_277 : memref<128xf32, #tpu.memory_space<vmem>>) dst(%dma_wait3A_282 : memref<102400000xf32, #tpu.memory_space<hbm>>)
    %dma_wait3A_283 = arith.constant 12 : i32
    %dma_wait3A_284 = arith.constant 12 : i32
    %dma_wait3A_285 = arith.constant 0 : i32
    %dma_wait3A_286 = tpu.memref_slice %arg7[%dma_wait3A_283, %dma_wait3A_285] : memref<16x128xf32, #tpu.memory_space<vmem>> -> memref<1x128xf32, #tpu.memory_space<vmem>>
    %dma_wait3A_287 = tpu.memref_squeeze %dma_wait3A_286 : memref<1x128xf32, #tpu.memory_space<vmem>> -> memref<128xf32, #tpu.memory_space<vmem>>
    %dma_wait3A_288 = arith.constant 0 : i32
    %dma_wait3A_289 = tpu.memref_slice %arg6[%dma_wait3A_284, %dma_wait3A_288] : memref<16x128xi32, #tpu.memory_space<vmem>> -> memref<1x128xi32, #tpu.memory_space<vmem>>
    %dma_wait3A_290 = tpu.memref_squeeze %dma_wait3A_289 : memref<1x128xi32, #tpu.memory_space<vmem>> -> memref<128xi32, #tpu.memory_space<vmem>>
    %dma_wait3A_291 = arith.constant 0 : i32
    %dma_wait3A_292 = tpu.memref_slice %arg4[%dma_wait3A_291] : memref<102400000xf32, #tpu.memory_space<hbm>> -> memref<102400000xf32, #tpu.memory_space<hbm>>
    tpu.wait_indirect_dma semaphore(%arg8 : memref<!tpu.dma_semaphore, #tpu.memory_space<semaphore_mem>>) src(%dma_wait3A_287 : memref<128xf32, #tpu.memory_space<vmem>>) dst(%dma_wait3A_292 : memref<102400000xf32, #tpu.memory_space<hbm>>)
    %dma_wait3A_293 = arith.constant 13 : i32
    %dma_wait3A_294 = arith.constant 13 : i32
    %dma_wait3A_295 = arith.constant 0 : i32
    %dma_wait3A_296 = tpu.memref_slice %arg7[%dma_wait3A_293, %dma_wait3A_295] : memref<16x128xf32, #tpu.memory_space<vmem>> -> memref<1x128xf32, #tpu.memory_space<vmem>>
    %dma_wait3A_297 = tpu.memref_squeeze %dma_wait3A_296 : memref<1x128xf32, #tpu.memory_space<vmem>> -> memref<128xf32, #tpu.memory_space<vmem>>
    %dma_wait3A_298 = arith.constant 0 : i32
    %dma_wait3A_299 = tpu.memref_slice %arg6[%dma_wait3A_294, %dma_wait3A_298] : memref<16x128xi32, #tpu.memory_space<vmem>> -> memref<1x128xi32, #tpu.memory_space<vmem>>
    %dma_wait3A_300 = tpu.memref_squeeze %dma_wait3A_299 : memref<1x128xi32, #tpu.memory_space<vmem>> -> memref<128xi32, #tpu.memory_space<vmem>>
    %dma_wait3A_301 = arith.constant 0 : i32
    %dma_wait3A_302 = tpu.memref_slice %arg4[%dma_wait3A_301] : memref<102400000xf32, #tpu.memory_space<hbm>> -> memref<102400000xf32, #tpu.memory_space<hbm>>
    tpu.wait_indirect_dma semaphore(%arg8 : memref<!tpu.dma_semaphore, #tpu.memory_space<semaphore_mem>>) src(%dma_wait3A_297 : memref<128xf32, #tpu.memory_space<vmem>>) dst(%dma_wait3A_302 : memref<102400000xf32, #tpu.memory_space<hbm>>)
    %dma_wait3A_303 = arith.constant 14 : i32
    %dma_wait3A_304 = arith.constant 14 : i32
    %dma_wait3A_305 = arith.constant 0 : i32
    %dma_wait3A_306 = tpu.memref_slice %arg7[%dma_wait3A_303, %dma_wait3A_305] : memref<16x128xf32, #tpu.memory_space<vmem>> -> memref<1x128xf32, #tpu.memory_space<vmem>>
    %dma_wait3A_307 = tpu.memref_squeeze %dma_wait3A_306 : memref<1x128xf32, #tpu.memory_space<vmem>> -> memref<128xf32, #tpu.memory_space<vmem>>
    %dma_wait3A_308 = arith.constant 0 : i32
    %dma_wait3A_309 = tpu.memref_slice %arg6[%dma_wait3A_304, %dma_wait3A_308] : memref<16x128xi32, #tpu.memory_space<vmem>> -> memref<1x128xi32, #tpu.memory_space<vmem>>
    %dma_wait3A_310 = tpu.memref_squeeze %dma_wait3A_309 : memref<1x128xi32, #tpu.memory_space<vmem>> -> memref<128xi32, #tpu.memory_space<vmem>>
    %dma_wait3A_311 = arith.constant 0 : i32
    %dma_wait3A_312 = tpu.memref_slice %arg4[%dma_wait3A_311] : memref<102400000xf32, #tpu.memory_space<hbm>> -> memref<102400000xf32, #tpu.memory_space<hbm>>
    tpu.wait_indirect_dma semaphore(%arg8 : memref<!tpu.dma_semaphore, #tpu.memory_space<semaphore_mem>>) src(%dma_wait3A_307 : memref<128xf32, #tpu.memory_space<vmem>>) dst(%dma_wait3A_312 : memref<102400000xf32, #tpu.memory_space<hbm>>)
    %dma_wait3A_313 = arith.constant 15 : i32
    %dma_wait3A_314 = arith.constant 15 : i32
    %dma_wait3A_315 = arith.constant 0 : i32
    %dma_wait3A_316 = tpu.memref_slice %arg7[%dma_wait3A_313, %dma_wait3A_315] : memref<16x128xf32, #tpu.memory_space<vmem>> -> memref<1x128xf32, #tpu.memory_space<vmem>>
    %dma_wait3A_317 = tpu.memref_squeeze %dma_wait3A_316 : memref<1x128xf32, #tpu.memory_space<vmem>> -> memref<128xf32, #tpu.memory_space<vmem>>
    %dma_wait3A_318 = arith.constant 0 : i32
    %dma_wait3A_319 = tpu.memref_slice %arg6[%dma_wait3A_314, %dma_wait3A_318] : memref<16x128xi32, #tpu.memory_space<vmem>> -> memref<1x128xi32, #tpu.memory_space<vmem>>
    %dma_wait3A_320 = tpu.memref_squeeze %dma_wait3A_319 : memref<1x128xi32, #tpu.memory_space<vmem>> -> memref<128xi32, #tpu.memory_space<vmem>>
    %dma_wait3A_321 = arith.constant 0 : i32
    %dma_wait3A_322 = tpu.memref_slice %arg4[%dma_wait3A_321] : memref<102400000xf32, #tpu.memory_space<hbm>> -> memref<102400000xf32, #tpu.memory_space<hbm>>
    tpu.wait_indirect_dma semaphore(%arg8 : memref<!tpu.dma_semaphore, #tpu.memory_space<semaphore_mem>>) src(%dma_wait3A_317 : memref<128xf32, #tpu.memory_space<vmem>>) dst(%dma_wait3A_322 : memref<102400000xf32, #tpu.memory_space<hbm>>)
    return
  }
}

#map = affine_map<(d0, d1) -> (0)>
module attributes {stable_mosaic.version = 14 : i64} {
  func.func @fill_kernel(%arg0: i32, %arg1: i32, %arg2: memref<102400000xf32, #tpu.memory_space<hbm>>, %arg3: memref<100000xf32, #tpu.memory_space<vmem>>, %arg4: memref<!tpu.dma_semaphore, #tpu.memory_space<semaphore_mem>>) attributes {dimension_semantics = [#tpu.dimension_semantics<core_parallel>, #tpu.dimension_semantics<subcore_parallel>], iteration_bounds = array<i64: 2, 16>, scalar_prefetch = 0 : i64, scratch_operands = 2 : i64, tpu.core_type = #tpu.core_type<sc_vector_subcore>, window_params = [{transform_indices = #map}]} {
    %mul3A = arith.constant 2 : i32
    %mul3A_0 = arith.muli %arg1, %mul3A : i32
    %add3A = arith.addi %mul3A_0, %arg0 : i32
    %scan3A = arith.constant 0 : i32
    %scan3A_1 = arith.constant 0 : i32
    %scan3A_2 = arith.constant 6250 : i32
    %scan3A_3 = arith.addi %scan3A_1, %scan3A_2 : i32
    %scan3A_4 = arith.constant 1 : i32
    scf.for %scan3A_324 = %scan3A_1 to %scan3A_3 step %scan3A_4  : i32 {
      %broadcast_in_dim3A = arith.constant 9.99999997E-7 : f32
      %broadcast_in_dim3A_325 = vector.broadcast %broadcast_in_dim3A : f32 to vector<16xf32>
      %mul3A_326 = arith.constant 16 : i32
      %mul3A_327 = arith.muli %scan3A_324, %mul3A_326 : i32
      %swap3A = arith.index_cast %mul3A_327 : i32 to index
      %swap3A_328 = tpu.vector_load %arg3[%swap3A] {strides = array<i32>} : memref<100000xf32, #tpu.memory_space<vmem>>, vector<16xf32>,
      %swap3A_329 = vector.shape_cast %swap3A_328 : vector<16xf32> to vector<16xf32>
      %swap3A_330 = vector.shape_cast %broadcast_in_dim3A_325 : vector<16xf32> to vector<16xf32>
      tpu.vector_store %arg3[%swap3A], %swap3A_330 {strides = array<i32>} : memref<100000xf32, #tpu.memory_space<vmem>>, vector<16xf32>,
    }
    %scan3A_5 = arith.constant 6250 : i32
    %mul3A_6 = arith.constant 32 : i32
    %mul3A_7 = arith.muli %add3A, %mul3A_6 : i32
    %add3A_8 = arith.constant 0 : i32
    %add3A_9 = arith.addi %mul3A_7, %add3A_8 : i32
    %mul3A_10 = arith.constant 100000 : i32
    %mul3A_11 = arith.muli %add3A_9, %mul3A_10 : i32
    %dma_start3A = tpu.memref_slice %arg2[%mul3A_11] : memref<102400000xf32, #tpu.memory_space<hbm>> -> memref<100000xf32, #tpu.memory_space<hbm>>
    %dma_start3A_12 = tpu.memref_slice %arg2[%mul3A_11] : memref<102400000xf32, #tpu.memory_space<hbm>> -> memref<100000xf32, #tpu.memory_space<hbm>>
    tpu.enqueue_dma source(%arg3 : memref<100000xf32, #tpu.memory_space<vmem>>) target(%dma_start3A_12 : memref<100000xf32, #tpu.memory_space<hbm>>) target_semaphore(%arg4 : memref<!tpu.dma_semaphore, #tpu.memory_space<semaphore_mem>>)
    %mul3A_13 = arith.constant 32 : i32
    %mul3A_14 = arith.muli %add3A, %mul3A_13 : i32
    %add3A_15 = arith.constant 1 : i32
    %add3A_16 = arith.addi %mul3A_14, %add3A_15 : i32
    %mul3A_17 = arith.constant 100000 : i32
    %mul3A_18 = arith.muli %add3A_16, %mul3A_17 : i32
    %dma_start3A_19 = tpu.memref_slice %arg2[%mul3A_18] : memref<102400000xf32, #tpu.memory_space<hbm>> -> memref<100000xf32, #tpu.memory_space<hbm>>
    %dma_start3A_20 = tpu.memref_slice %arg2[%mul3A_18] : memref<102400000xf32, #tpu.memory_space<hbm>> -> memref<100000xf32, #tpu.memory_space<hbm>>
    tpu.enqueue_dma source(%arg3 : memref<100000xf32, #tpu.memory_space<vmem>>) target(%dma_start3A_20 : memref<100000xf32, #tpu.memory_space<hbm>>) target_semaphore(%arg4 : memref<!tpu.dma_semaphore, #tpu.memory_space<semaphore_mem>>)
    %mul3A_21 = arith.constant 32 : i32
    %mul3A_22 = arith.muli %add3A, %mul3A_21 : i32
    %add3A_23 = arith.constant 2 : i32
    %add3A_24 = arith.addi %mul3A_22, %add3A_23 : i32
    %mul3A_25 = arith.constant 100000 : i32
    %mul3A_26 = arith.muli %add3A_24, %mul3A_25 : i32
    %dma_start3A_27 = tpu.memref_slice %arg2[%mul3A_26] : memref<102400000xf32, #tpu.memory_space<hbm>> -> memref<100000xf32, #tpu.memory_space<hbm>>
    %dma_start3A_28 = tpu.memref_slice %arg2[%mul3A_26] : memref<102400000xf32, #tpu.memory_space<hbm>> -> memref<100000xf32, #tpu.memory_space<hbm>>
    tpu.enqueue_dma source(%arg3 : memref<100000xf32, #tpu.memory_space<vmem>>) target(%dma_start3A_28 : memref<100000xf32, #tpu.memory_space<hbm>>) target_semaphore(%arg4 : memref<!tpu.dma_semaphore, #tpu.memory_space<semaphore_mem>>)
    %mul3A_29 = arith.constant 32 : i32
    %mul3A_30 = arith.muli %add3A, %mul3A_29 : i32
    %add3A_31 = arith.constant 3 : i32
    %add3A_32 = arith.addi %mul3A_30, %add3A_31 : i32
    %mul3A_33 = arith.constant 100000 : i32
    %mul3A_34 = arith.muli %add3A_32, %mul3A_33 : i32
    %dma_start3A_35 = tpu.memref_slice %arg2[%mul3A_34] : memref<102400000xf32, #tpu.memory_space<hbm>> -> memref<100000xf32, #tpu.memory_space<hbm>>
    %dma_start3A_36 = tpu.memref_slice %arg2[%mul3A_34] : memref<102400000xf32, #tpu.memory_space<hbm>> -> memref<100000xf32, #tpu.memory_space<hbm>>
    tpu.enqueue_dma source(%arg3 : memref<100000xf32, #tpu.memory_space<vmem>>) target(%dma_start3A_36 : memref<100000xf32, #tpu.memory_space<hbm>>) target_semaphore(%arg4 : memref<!tpu.dma_semaphore, #tpu.memory_space<semaphore_mem>>)
    %mul3A_37 = arith.constant 32 : i32
    %mul3A_38 = arith.muli %add3A, %mul3A_37 : i32
    %add3A_39 = arith.constant 4 : i32
    %add3A_40 = arith.addi %mul3A_38, %add3A_39 : i32
    %mul3A_41 = arith.constant 100000 : i32
    %mul3A_42 = arith.muli %add3A_40, %mul3A_41 : i32
    %dma_start3A_43 = tpu.memref_slice %arg2[%mul3A_42] : memref<102400000xf32, #tpu.memory_space<hbm>> -> memref<100000xf32, #tpu.memory_space<hbm>>
    %dma_start3A_44 = tpu.memref_slice %arg2[%mul3A_42] : memref<102400000xf32, #tpu.memory_space<hbm>> -> memref<100000xf32, #tpu.memory_space<hbm>>
    tpu.enqueue_dma source(%arg3 : memref<100000xf32, #tpu.memory_space<vmem>>) target(%dma_start3A_44 : memref<100000xf32, #tpu.memory_space<hbm>>) target_semaphore(%arg4 : memref<!tpu.dma_semaphore, #tpu.memory_space<semaphore_mem>>)
    %mul3A_45 = arith.constant 32 : i32
    %mul3A_46 = arith.muli %add3A, %mul3A_45 : i32
    %add3A_47 = arith.constant 5 : i32
    %add3A_48 = arith.addi %mul3A_46, %add3A_47 : i32
    %mul3A_49 = arith.constant 100000 : i32
    %mul3A_50 = arith.muli %add3A_48, %mul3A_49 : i32
    %dma_start3A_51 = tpu.memref_slice %arg2[%mul3A_50] : memref<102400000xf32, #tpu.memory_space<hbm>> -> memref<100000xf32, #tpu.memory_space<hbm>>
    %dma_start3A_52 = tpu.memref_slice %arg2[%mul3A_50] : memref<102400000xf32, #tpu.memory_space<hbm>> -> memref<100000xf32, #tpu.memory_space<hbm>>
    tpu.enqueue_dma source(%arg3 : memref<100000xf32, #tpu.memory_space<vmem>>) target(%dma_start3A_52 : memref<100000xf32, #tpu.memory_space<hbm>>) target_semaphore(%arg4 : memref<!tpu.dma_semaphore, #tpu.memory_space<semaphore_mem>>)
    %mul3A_53 = arith.constant 32 : i32
    %mul3A_54 = arith.muli %add3A, %mul3A_53 : i32
    %add3A_55 = arith.constant 6 : i32
    %add3A_56 = arith.addi %mul3A_54, %add3A_55 : i32
    %mul3A_57 = arith.constant 100000 : i32
    %mul3A_58 = arith.muli %add3A_56, %mul3A_57 : i32
    %dma_start3A_59 = tpu.memref_slice %arg2[%mul3A_58] : memref<102400000xf32, #tpu.memory_space<hbm>> -> memref<100000xf32, #tpu.memory_space<hbm>>
    %dma_start3A_60 = tpu.memref_slice %arg2[%mul3A_58] : memref<102400000xf32, #tpu.memory_space<hbm>> -> memref<100000xf32, #tpu.memory_space<hbm>>
    tpu.enqueue_dma source(%arg3 : memref<100000xf32, #tpu.memory_space<vmem>>) target(%dma_start3A_60 : memref<100000xf32, #tpu.memory_space<hbm>>) target_semaphore(%arg4 : memref<!tpu.dma_semaphore, #tpu.memory_space<semaphore_mem>>)
    %mul3A_61 = arith.constant 32 : i32
    %mul3A_62 = arith.muli %add3A, %mul3A_61 : i32
    %add3A_63 = arith.constant 7 : i32
    %add3A_64 = arith.addi %mul3A_62, %add3A_63 : i32
    %mul3A_65 = arith.constant 100000 : i32
    %mul3A_66 = arith.muli %add3A_64, %mul3A_65 : i32
    %dma_start3A_67 = tpu.memref_slice %arg2[%mul3A_66] : memref<102400000xf32, #tpu.memory_space<hbm>> -> memref<100000xf32, #tpu.memory_space<hbm>>
    %dma_start3A_68 = tpu.memref_slice %arg2[%mul3A_66] : memref<102400000xf32, #tpu.memory_space<hbm>> -> memref<100000xf32, #tpu.memory_space<hbm>>
    tpu.enqueue_dma source(%arg3 : memref<100000xf32, #tpu.memory_space<vmem>>) target(%dma_start3A_68 : memref<100000xf32, #tpu.memory_space<hbm>>) target_semaphore(%arg4 : memref<!tpu.dma_semaphore, #tpu.memory_space<semaphore_mem>>)
    %mul3A_69 = arith.constant 32 : i32
    %mul3A_70 = arith.muli %add3A, %mul3A_69 : i32
    %add3A_71 = arith.constant 8 : i32
    %add3A_72 = arith.addi %mul3A_70, %add3A_71 : i32
    %mul3A_73 = arith.constant 100000 : i32
    %mul3A_74 = arith.muli %add3A_72, %mul3A_73 : i32
    %dma_start3A_75 = tpu.memref_slice %arg2[%mul3A_74] : memref<102400000xf32, #tpu.memory_space<hbm>> -> memref<100000xf32, #tpu.memory_space<hbm>>
    %dma_start3A_76 = tpu.memref_slice %arg2[%mul3A_74] : memref<102400000xf32, #tpu.memory_space<hbm>> -> memref<100000xf32, #tpu.memory_space<hbm>>
    tpu.enqueue_dma source(%arg3 : memref<100000xf32, #tpu.memory_space<vmem>>) target(%dma_start3A_76 : memref<100000xf32, #tpu.memory_space<hbm>>) target_semaphore(%arg4 : memref<!tpu.dma_semaphore, #tpu.memory_space<semaphore_mem>>)
    %mul3A_77 = arith.constant 32 : i32
    %mul3A_78 = arith.muli %add3A, %mul3A_77 : i32
    %add3A_79 = arith.constant 9 : i32
    %add3A_80 = arith.addi %mul3A_78, %add3A_79 : i32
    %mul3A_81 = arith.constant 100000 : i32
    %mul3A_82 = arith.muli %add3A_80, %mul3A_81 : i32
    %dma_start3A_83 = tpu.memref_slice %arg2[%mul3A_82] : memref<102400000xf32, #tpu.memory_space<hbm>> -> memref<100000xf32, #tpu.memory_space<hbm>>
    %dma_start3A_84 = tpu.memref_slice %arg2[%mul3A_82] : memref<102400000xf32, #tpu.memory_space<hbm>> -> memref<100000xf32, #tpu.memory_space<hbm>>
    tpu.enqueue_dma source(%arg3 : memref<100000xf32, #tpu.memory_space<vmem>>) target(%dma_start3A_84 : memref<100000xf32, #tpu.memory_space<hbm>>) target_semaphore(%arg4 : memref<!tpu.dma_semaphore, #tpu.memory_space<semaphore_mem>>)
    %mul3A_85 = arith.constant 32 : i32
    %mul3A_86 = arith.muli %add3A, %mul3A_85 : i32
    %add3A_87 = arith.constant 10 : i32
    %add3A_88 = arith.addi %mul3A_86, %add3A_87 : i32
    %mul3A_89 = arith.constant 100000 : i32
    %mul3A_90 = arith.muli %add3A_88, %mul3A_89 : i32
    %dma_start3A_91 = tpu.memref_slice %arg2[%mul3A_90] : memref<102400000xf32, #tpu.memory_space<hbm>> -> memref<100000xf32, #tpu.memory_space<hbm>>
    %dma_start3A_92 = tpu.memref_slice %arg2[%mul3A_90] : memref<102400000xf32, #tpu.memory_space<hbm>> -> memref<100000xf32, #tpu.memory_space<hbm>>
    tpu.enqueue_dma source(%arg3 : memref<100000xf32, #tpu.memory_space<vmem>>) target(%dma_start3A_92 : memref<100000xf32, #tpu.memory_space<hbm>>) target_semaphore(%arg4 : memref<!tpu.dma_semaphore, #tpu.memory_space<semaphore_mem>>)
    %mul3A_93 = arith.constant 32 : i32
    %mul3A_94 = arith.muli %add3A, %mul3A_93 : i32
    %add3A_95 = arith.constant 11 : i32
    %add3A_96 = arith.addi %mul3A_94, %add3A_95 : i32
    %mul3A_97 = arith.constant 100000 : i32
    %mul3A_98 = arith.muli %add3A_96, %mul3A_97 : i32
    %dma_start3A_99 = tpu.memref_slice %arg2[%mul3A_98] : memref<102400000xf32, #tpu.memory_space<hbm>> -> memref<100000xf32, #tpu.memory_space<hbm>>
    %dma_start3A_100 = tpu.memref_slice %arg2[%mul3A_98] : memref<102400000xf32, #tpu.memory_space<hbm>> -> memref<100000xf32, #tpu.memory_space<hbm>>
    tpu.enqueue_dma source(%arg3 : memref<100000xf32, #tpu.memory_space<vmem>>) target(%dma_start3A_100 : memref<100000xf32, #tpu.memory_space<hbm>>) target_semaphore(%arg4 : memref<!tpu.dma_semaphore, #tpu.memory_space<semaphore_mem>>)
    %mul3A_101 = arith.constant 32 : i32
    %mul3A_102 = arith.muli %add3A, %mul3A_101 : i32
    %add3A_103 = arith.constant 12 : i32
    %add3A_104 = arith.addi %mul3A_102, %add3A_103 : i32
    %mul3A_105 = arith.constant 100000 : i32
    %mul3A_106 = arith.muli %add3A_104, %mul3A_105 : i32
    %dma_start3A_107 = tpu.memref_slice %arg2[%mul3A_106] : memref<102400000xf32, #tpu.memory_space<hbm>> -> memref<100000xf32, #tpu.memory_space<hbm>>
    %dma_start3A_108 = tpu.memref_slice %arg2[%mul3A_106] : memref<102400000xf32, #tpu.memory_space<hbm>> -> memref<100000xf32, #tpu.memory_space<hbm>>
    tpu.enqueue_dma source(%arg3 : memref<100000xf32, #tpu.memory_space<vmem>>) target(%dma_start3A_108 : memref<100000xf32, #tpu.memory_space<hbm>>) target_semaphore(%arg4 : memref<!tpu.dma_semaphore, #tpu.memory_space<semaphore_mem>>)
    %mul3A_109 = arith.constant 32 : i32
    %mul3A_110 = arith.muli %add3A, %mul3A_109 : i32
    %add3A_111 = arith.constant 13 : i32
    %add3A_112 = arith.addi %mul3A_110, %add3A_111 : i32
    %mul3A_113 = arith.constant 100000 : i32
    %mul3A_114 = arith.muli %add3A_112, %mul3A_113 : i32
    %dma_start3A_115 = tpu.memref_slice %arg2[%mul3A_114] : memref<102400000xf32, #tpu.memory_space<hbm>> -> memref<100000xf32, #tpu.memory_space<hbm>>
    %dma_start3A_116 = tpu.memref_slice %arg2[%mul3A_114] : memref<102400000xf32, #tpu.memory_space<hbm>> -> memref<100000xf32, #tpu.memory_space<hbm>>
    tpu.enqueue_dma source(%arg3 : memref<100000xf32, #tpu.memory_space<vmem>>) target(%dma_start3A_116 : memref<100000xf32, #tpu.memory_space<hbm>>) target_semaphore(%arg4 : memref<!tpu.dma_semaphore, #tpu.memory_space<semaphore_mem>>)
    %mul3A_117 = arith.constant 32 : i32
    %mul3A_118 = arith.muli %add3A, %mul3A_117 : i32
    %add3A_119 = arith.constant 14 : i32
    %add3A_120 = arith.addi %mul3A_118, %add3A_119 : i32
    %mul3A_121 = arith.constant 100000 : i32
    %mul3A_122 = arith.muli %add3A_120, %mul3A_121 : i32
    %dma_start3A_123 = tpu.memref_slice %arg2[%mul3A_122] : memref<102400000xf32, #tpu.memory_space<hbm>> -> memref<100000xf32, #tpu.memory_space<hbm>>
    %dma_start3A_124 = tpu.memref_slice %arg2[%mul3A_122] : memref<102400000xf32, #tpu.memory_space<hbm>> -> memref<100000xf32, #tpu.memory_space<hbm>>
    tpu.enqueue_dma source(%arg3 : memref<100000xf32, #tpu.memory_space<vmem>>) target(%dma_start3A_124 : memref<100000xf32, #tpu.memory_space<hbm>>) target_semaphore(%arg4 : memref<!tpu.dma_semaphore, #tpu.memory_space<semaphore_mem>>)
    %mul3A_125 = arith.constant 32 : i32
    %mul3A_126 = arith.muli %add3A, %mul3A_125 : i32
    %add3A_127 = arith.constant 15 : i32
    %add3A_128 = arith.addi %mul3A_126, %add3A_127 : i32
    %mul3A_129 = arith.constant 100000 : i32
    %mul3A_130 = arith.muli %add3A_128, %mul3A_129 : i32
    %dma_start3A_131 = tpu.memref_slice %arg2[%mul3A_130] : memref<102400000xf32, #tpu.memory_space<hbm>> -> memref<100000xf32, #tpu.memory_space<hbm>>
    %dma_start3A_132 = tpu.memref_slice %arg2[%mul3A_130] : memref<102400000xf32, #tpu.memory_space<hbm>> -> memref<100000xf32, #tpu.memory_space<hbm>>
    tpu.enqueue_dma source(%arg3 : memref<100000xf32, #tpu.memory_space<vmem>>) target(%dma_start3A_132 : memref<100000xf32, #tpu.memory_space<hbm>>) target_semaphore(%arg4 : memref<!tpu.dma_semaphore, #tpu.memory_space<semaphore_mem>>)
    %mul3A_133 = arith.constant 32 : i32
    %mul3A_134 = arith.muli %add3A, %mul3A_133 : i32
    %add3A_135 = arith.constant 16 : i32
    %add3A_136 = arith.addi %mul3A_134, %add3A_135 : i32
    %mul3A_137 = arith.constant 100000 : i32
    %mul3A_138 = arith.muli %add3A_136, %mul3A_137 : i32
    %dma_start3A_139 = tpu.memref_slice %arg2[%mul3A_138] : memref<102400000xf32, #tpu.memory_space<hbm>> -> memref<100000xf32, #tpu.memory_space<hbm>>
    %dma_start3A_140 = tpu.memref_slice %arg2[%mul3A_138] : memref<102400000xf32, #tpu.memory_space<hbm>> -> memref<100000xf32, #tpu.memory_space<hbm>>
    tpu.enqueue_dma source(%arg3 : memref<100000xf32, #tpu.memory_space<vmem>>) target(%dma_start3A_140 : memref<100000xf32, #tpu.memory_space<hbm>>) target_semaphore(%arg4 : memref<!tpu.dma_semaphore, #tpu.memory_space<semaphore_mem>>)
    %mul3A_141 = arith.constant 32 : i32
    %mul3A_142 = arith.muli %add3A, %mul3A_141 : i32
    %add3A_143 = arith.constant 17 : i32
    %add3A_144 = arith.addi %mul3A_142, %add3A_143 : i32
    %mul3A_145 = arith.constant 100000 : i32
    %mul3A_146 = arith.muli %add3A_144, %mul3A_145 : i32
    %dma_start3A_147 = tpu.memref_slice %arg2[%mul3A_146] : memref<102400000xf32, #tpu.memory_space<hbm>> -> memref<100000xf32, #tpu.memory_space<hbm>>
    %dma_start3A_148 = tpu.memref_slice %arg2[%mul3A_146] : memref<102400000xf32, #tpu.memory_space<hbm>> -> memref<100000xf32, #tpu.memory_space<hbm>>
    tpu.enqueue_dma source(%arg3 : memref<100000xf32, #tpu.memory_space<vmem>>) target(%dma_start3A_148 : memref<100000xf32, #tpu.memory_space<hbm>>) target_semaphore(%arg4 : memref<!tpu.dma_semaphore, #tpu.memory_space<semaphore_mem>>)
    %mul3A_149 = arith.constant 32 : i32
    %mul3A_150 = arith.muli %add3A, %mul3A_149 : i32
    %add3A_151 = arith.constant 18 : i32
    %add3A_152 = arith.addi %mul3A_150, %add3A_151 : i32
    %mul3A_153 = arith.constant 100000 : i32
    %mul3A_154 = arith.muli %add3A_152, %mul3A_153 : i32
    %dma_start3A_155 = tpu.memref_slice %arg2[%mul3A_154] : memref<102400000xf32, #tpu.memory_space<hbm>> -> memref<100000xf32, #tpu.memory_space<hbm>>
    %dma_start3A_156 = tpu.memref_slice %arg2[%mul3A_154] : memref<102400000xf32, #tpu.memory_space<hbm>> -> memref<100000xf32, #tpu.memory_space<hbm>>
    tpu.enqueue_dma source(%arg3 : memref<100000xf32, #tpu.memory_space<vmem>>) target(%dma_start3A_156 : memref<100000xf32, #tpu.memory_space<hbm>>) target_semaphore(%arg4 : memref<!tpu.dma_semaphore, #tpu.memory_space<semaphore_mem>>)
    %mul3A_157 = arith.constant 32 : i32
    %mul3A_158 = arith.muli %add3A, %mul3A_157 : i32
    %add3A_159 = arith.constant 19 : i32
    %add3A_160 = arith.addi %mul3A_158, %add3A_159 : i32
    %mul3A_161 = arith.constant 100000 : i32
    %mul3A_162 = arith.muli %add3A_160, %mul3A_161 : i32
    %dma_start3A_163 = tpu.memref_slice %arg2[%mul3A_162] : memref<102400000xf32, #tpu.memory_space<hbm>> -> memref<100000xf32, #tpu.memory_space<hbm>>
    %dma_start3A_164 = tpu.memref_slice %arg2[%mul3A_162] : memref<102400000xf32, #tpu.memory_space<hbm>> -> memref<100000xf32, #tpu.memory_space<hbm>>
    tpu.enqueue_dma source(%arg3 : memref<100000xf32, #tpu.memory_space<vmem>>) target(%dma_start3A_164 : memref<100000xf32, #tpu.memory_space<hbm>>) target_semaphore(%arg4 : memref<!tpu.dma_semaphore, #tpu.memory_space<semaphore_mem>>)
    %mul3A_165 = arith.constant 32 : i32
    %mul3A_166 = arith.muli %add3A, %mul3A_165 : i32
    %add3A_167 = arith.constant 20 : i32
    %add3A_168 = arith.addi %mul3A_166, %add3A_167 : i32
    %mul3A_169 = arith.constant 100000 : i32
    %mul3A_170 = arith.muli %add3A_168, %mul3A_169 : i32
    %dma_start3A_171 = tpu.memref_slice %arg2[%mul3A_170] : memref<102400000xf32, #tpu.memory_space<hbm>> -> memref<100000xf32, #tpu.memory_space<hbm>>
    %dma_start3A_172 = tpu.memref_slice %arg2[%mul3A_170] : memref<102400000xf32, #tpu.memory_space<hbm>> -> memref<100000xf32, #tpu.memory_space<hbm>>
    tpu.enqueue_dma source(%arg3 : memref<100000xf32, #tpu.memory_space<vmem>>) target(%dma_start3A_172 : memref<100000xf32, #tpu.memory_space<hbm>>) target_semaphore(%arg4 : memref<!tpu.dma_semaphore, #tpu.memory_space<semaphore_mem>>)
    %mul3A_173 = arith.constant 32 : i32
    %mul3A_174 = arith.muli %add3A, %mul3A_173 : i32
    %add3A_175 = arith.constant 21 : i32
    %add3A_176 = arith.addi %mul3A_174, %add3A_175 : i32
    %mul3A_177 = arith.constant 100000 : i32
    %mul3A_178 = arith.muli %add3A_176, %mul3A_177 : i32
    %dma_start3A_179 = tpu.memref_slice %arg2[%mul3A_178] : memref<102400000xf32, #tpu.memory_space<hbm>> -> memref<100000xf32, #tpu.memory_space<hbm>>
    %dma_start3A_180 = tpu.memref_slice %arg2[%mul3A_178] : memref<102400000xf32, #tpu.memory_space<hbm>> -> memref<100000xf32, #tpu.memory_space<hbm>>
    tpu.enqueue_dma source(%arg3 : memref<100000xf32, #tpu.memory_space<vmem>>) target(%dma_start3A_180 : memref<100000xf32, #tpu.memory_space<hbm>>) target_semaphore(%arg4 : memref<!tpu.dma_semaphore, #tpu.memory_space<semaphore_mem>>)
    %mul3A_181 = arith.constant 32 : i32
    %mul3A_182 = arith.muli %add3A, %mul3A_181 : i32
    %add3A_183 = arith.constant 22 : i32
    %add3A_184 = arith.addi %mul3A_182, %add3A_183 : i32
    %mul3A_185 = arith.constant 100000 : i32
    %mul3A_186 = arith.muli %add3A_184, %mul3A_185 : i32
    %dma_start3A_187 = tpu.memref_slice %arg2[%mul3A_186] : memref<102400000xf32, #tpu.memory_space<hbm>> -> memref<100000xf32, #tpu.memory_space<hbm>>
    %dma_start3A_188 = tpu.memref_slice %arg2[%mul3A_186] : memref<102400000xf32, #tpu.memory_space<hbm>> -> memref<100000xf32, #tpu.memory_space<hbm>>
    tpu.enqueue_dma source(%arg3 : memref<100000xf32, #tpu.memory_space<vmem>>) target(%dma_start3A_188 : memref<100000xf32, #tpu.memory_space<hbm>>) target_semaphore(%arg4 : memref<!tpu.dma_semaphore, #tpu.memory_space<semaphore_mem>>)
    %mul3A_189 = arith.constant 32 : i32
    %mul3A_190 = arith.muli %add3A, %mul3A_189 : i32
    %add3A_191 = arith.constant 23 : i32
    %add3A_192 = arith.addi %mul3A_190, %add3A_191 : i32
    %mul3A_193 = arith.constant 100000 : i32
    %mul3A_194 = arith.muli %add3A_192, %mul3A_193 : i32
    %dma_start3A_195 = tpu.memref_slice %arg2[%mul3A_194] : memref<102400000xf32, #tpu.memory_space<hbm>> -> memref<100000xf32, #tpu.memory_space<hbm>>
    %dma_start3A_196 = tpu.memref_slice %arg2[%mul3A_194] : memref<102400000xf32, #tpu.memory_space<hbm>> -> memref<100000xf32, #tpu.memory_space<hbm>>
    tpu.enqueue_dma source(%arg3 : memref<100000xf32, #tpu.memory_space<vmem>>) target(%dma_start3A_196 : memref<100000xf32, #tpu.memory_space<hbm>>) target_semaphore(%arg4 : memref<!tpu.dma_semaphore, #tpu.memory_space<semaphore_mem>>)
    %mul3A_197 = arith.constant 32 : i32
    %mul3A_198 = arith.muli %add3A, %mul3A_197 : i32
    %add3A_199 = arith.constant 24 : i32
    %add3A_200 = arith.addi %mul3A_198, %add3A_199 : i32
    %mul3A_201 = arith.constant 100000 : i32
    %mul3A_202 = arith.muli %add3A_200, %mul3A_201 : i32
    %dma_start3A_203 = tpu.memref_slice %arg2[%mul3A_202] : memref<102400000xf32, #tpu.memory_space<hbm>> -> memref<100000xf32, #tpu.memory_space<hbm>>
    %dma_start3A_204 = tpu.memref_slice %arg2[%mul3A_202] : memref<102400000xf32, #tpu.memory_space<hbm>> -> memref<100000xf32, #tpu.memory_space<hbm>>
    tpu.enqueue_dma source(%arg3 : memref<100000xf32, #tpu.memory_space<vmem>>) target(%dma_start3A_204 : memref<100000xf32, #tpu.memory_space<hbm>>) target_semaphore(%arg4 : memref<!tpu.dma_semaphore, #tpu.memory_space<semaphore_mem>>)
    %mul3A_205 = arith.constant 32 : i32
    %mul3A_206 = arith.muli %add3A, %mul3A_205 : i32
    %add3A_207 = arith.constant 25 : i32
    %add3A_208 = arith.addi %mul3A_206, %add3A_207 : i32
    %mul3A_209 = arith.constant 100000 : i32
    %mul3A_210 = arith.muli %add3A_208, %mul3A_209 : i32
    %dma_start3A_211 = tpu.memref_slice %arg2[%mul3A_210] : memref<102400000xf32, #tpu.memory_space<hbm>> -> memref<100000xf32, #tpu.memory_space<hbm>>
    %dma_start3A_212 = tpu.memref_slice %arg2[%mul3A_210] : memref<102400000xf32, #tpu.memory_space<hbm>> -> memref<100000xf32, #tpu.memory_space<hbm>>
    tpu.enqueue_dma source(%arg3 : memref<100000xf32, #tpu.memory_space<vmem>>) target(%dma_start3A_212 : memref<100000xf32, #tpu.memory_space<hbm>>) target_semaphore(%arg4 : memref<!tpu.dma_semaphore, #tpu.memory_space<semaphore_mem>>)
    %mul3A_213 = arith.constant 32 : i32
    %mul3A_214 = arith.muli %add3A, %mul3A_213 : i32
    %add3A_215 = arith.constant 26 : i32
    %add3A_216 = arith.addi %mul3A_214, %add3A_215 : i32
    %mul3A_217 = arith.constant 100000 : i32
    %mul3A_218 = arith.muli %add3A_216, %mul3A_217 : i32
    %dma_start3A_219 = tpu.memref_slice %arg2[%mul3A_218] : memref<102400000xf32, #tpu.memory_space<hbm>> -> memref<100000xf32, #tpu.memory_space<hbm>>
    %dma_start3A_220 = tpu.memref_slice %arg2[%mul3A_218] : memref<102400000xf32, #tpu.memory_space<hbm>> -> memref<100000xf32, #tpu.memory_space<hbm>>
    tpu.enqueue_dma source(%arg3 : memref<100000xf32, #tpu.memory_space<vmem>>) target(%dma_start3A_220 : memref<100000xf32, #tpu.memory_space<hbm>>) target_semaphore(%arg4 : memref<!tpu.dma_semaphore, #tpu.memory_space<semaphore_mem>>)
    %mul3A_221 = arith.constant 32 : i32
    %mul3A_222 = arith.muli %add3A, %mul3A_221 : i32
    %add3A_223 = arith.constant 27 : i32
    %add3A_224 = arith.addi %mul3A_222, %add3A_223 : i32
    %mul3A_225 = arith.constant 100000 : i32
    %mul3A_226 = arith.muli %add3A_224, %mul3A_225 : i32
    %dma_start3A_227 = tpu.memref_slice %arg2[%mul3A_226] : memref<102400000xf32, #tpu.memory_space<hbm>> -> memref<100000xf32, #tpu.memory_space<hbm>>
    %dma_start3A_228 = tpu.memref_slice %arg2[%mul3A_226] : memref<102400000xf32, #tpu.memory_space<hbm>> -> memref<100000xf32, #tpu.memory_space<hbm>>
    tpu.enqueue_dma source(%arg3 : memref<100000xf32, #tpu.memory_space<vmem>>) target(%dma_start3A_228 : memref<100000xf32, #tpu.memory_space<hbm>>) target_semaphore(%arg4 : memref<!tpu.dma_semaphore, #tpu.memory_space<semaphore_mem>>)
    %mul3A_229 = arith.constant 32 : i32
    %mul3A_230 = arith.muli %add3A, %mul3A_229 : i32
    %add3A_231 = arith.constant 28 : i32
    %add3A_232 = arith.addi %mul3A_230, %add3A_231 : i32
    %mul3A_233 = arith.constant 100000 : i32
    %mul3A_234 = arith.muli %add3A_232, %mul3A_233 : i32
    %dma_start3A_235 = tpu.memref_slice %arg2[%mul3A_234] : memref<102400000xf32, #tpu.memory_space<hbm>> -> memref<100000xf32, #tpu.memory_space<hbm>>
    %dma_start3A_236 = tpu.memref_slice %arg2[%mul3A_234] : memref<102400000xf32, #tpu.memory_space<hbm>> -> memref<100000xf32, #tpu.memory_space<hbm>>
    tpu.enqueue_dma source(%arg3 : memref<100000xf32, #tpu.memory_space<vmem>>) target(%dma_start3A_236 : memref<100000xf32, #tpu.memory_space<hbm>>) target_semaphore(%arg4 : memref<!tpu.dma_semaphore, #tpu.memory_space<semaphore_mem>>)
    %mul3A_237 = arith.constant 32 : i32
    %mul3A_238 = arith.muli %add3A, %mul3A_237 : i32
    %add3A_239 = arith.constant 29 : i32
    %add3A_240 = arith.addi %mul3A_238, %add3A_239 : i32
    %mul3A_241 = arith.constant 100000 : i32
    %mul3A_242 = arith.muli %add3A_240, %mul3A_241 : i32
    %dma_start3A_243 = tpu.memref_slice %arg2[%mul3A_242] : memref<102400000xf32, #tpu.memory_space<hbm>> -> memref<100000xf32, #tpu.memory_space<hbm>>
    %dma_start3A_244 = tpu.memref_slice %arg2[%mul3A_242] : memref<102400000xf32, #tpu.memory_space<hbm>> -> memref<100000xf32, #tpu.memory_space<hbm>>
    tpu.enqueue_dma source(%arg3 : memref<100000xf32, #tpu.memory_space<vmem>>) target(%dma_start3A_244 : memref<100000xf32, #tpu.memory_space<hbm>>) target_semaphore(%arg4 : memref<!tpu.dma_semaphore, #tpu.memory_space<semaphore_mem>>)
    %mul3A_245 = arith.constant 32 : i32
    %mul3A_246 = arith.muli %add3A, %mul3A_245 : i32
    %add3A_247 = arith.constant 30 : i32
    %add3A_248 = arith.addi %mul3A_246, %add3A_247 : i32
    %mul3A_249 = arith.constant 100000 : i32
    %mul3A_250 = arith.muli %add3A_248, %mul3A_249 : i32
    %dma_start3A_251 = tpu.memref_slice %arg2[%mul3A_250] : memref<102400000xf32, #tpu.memory_space<hbm>> -> memref<100000xf32, #tpu.memory_space<hbm>>
    %dma_start3A_252 = tpu.memref_slice %arg2[%mul3A_250] : memref<102400000xf32, #tpu.memory_space<hbm>> -> memref<100000xf32, #tpu.memory_space<hbm>>
    tpu.enqueue_dma source(%arg3 : memref<100000xf32, #tpu.memory_space<vmem>>) target(%dma_start3A_252 : memref<100000xf32, #tpu.memory_space<hbm>>) target_semaphore(%arg4 : memref<!tpu.dma_semaphore, #tpu.memory_space<semaphore_mem>>)
    %mul3A_253 = arith.constant 32 : i32
    %mul3A_254 = arith.muli %add3A, %mul3A_253 : i32
    %add3A_255 = arith.constant 31 : i32
    %add3A_256 = arith.addi %mul3A_254, %add3A_255 : i32
    %mul3A_257 = arith.constant 100000 : i32
    %mul3A_258 = arith.muli %add3A_256, %mul3A_257 : i32
    %dma_start3A_259 = tpu.memref_slice %arg2[%mul3A_258] : memref<102400000xf32, #tpu.memory_space<hbm>> -> memref<100000xf32, #tpu.memory_space<hbm>>
    %dma_start3A_260 = tpu.memref_slice %arg2[%mul3A_258] : memref<102400000xf32, #tpu.memory_space<hbm>> -> memref<100000xf32, #tpu.memory_space<hbm>>
    tpu.enqueue_dma source(%arg3 : memref<100000xf32, #tpu.memory_space<vmem>>) target(%dma_start3A_260 : memref<100000xf32, #tpu.memory_space<hbm>>) target_semaphore(%arg4 : memref<!tpu.dma_semaphore, #tpu.memory_space<semaphore_mem>>)
    %dma_wait3A = tpu.memref_slice %arg2[%mul3A_11] : memref<102400000xf32, #tpu.memory_space<hbm>> -> memref<100000xf32, #tpu.memory_space<hbm>>
    %dma_wait3A_261 = tpu.memref_slice %arg2[%mul3A_11] : memref<102400000xf32, #tpu.memory_space<hbm>> -> memref<100000xf32, #tpu.memory_space<hbm>>
    tpu.wait_dma2 semaphore(%arg4 : memref<!tpu.dma_semaphore, #tpu.memory_space<semaphore_mem>>) src(%arg3 : memref<100000xf32, #tpu.memory_space<vmem>>) dst(%dma_wait3A_261 : memref<100000xf32, #tpu.memory_space<hbm>>)
    %dma_wait3A_262 = tpu.memref_slice %arg2[%mul3A_18] : memref<102400000xf32, #tpu.memory_space<hbm>> -> memref<100000xf32, #tpu.memory_space<hbm>>
    %dma_wait3A_263 = tpu.memref_slice %arg2[%mul3A_18] : memref<102400000xf32, #tpu.memory_space<hbm>> -> memref<100000xf32, #tpu.memory_space<hbm>>
    tpu.wait_dma2 semaphore(%arg4 : memref<!tpu.dma_semaphore, #tpu.memory_space<semaphore_mem>>) src(%arg3 : memref<100000xf32, #tpu.memory_space<vmem>>) dst(%dma_wait3A_263 : memref<100000xf32, #tpu.memory_space<hbm>>)
    %dma_wait3A_264 = tpu.memref_slice %arg2[%mul3A_26] : memref<102400000xf32, #tpu.memory_space<hbm>> -> memref<100000xf32, #tpu.memory_space<hbm>>
    %dma_wait3A_265 = tpu.memref_slice %arg2[%mul3A_26] : memref<102400000xf32, #tpu.memory_space<hbm>> -> memref<100000xf32, #tpu.memory_space<hbm>>
    tpu.wait_dma2 semaphore(%arg4 : memref<!tpu.dma_semaphore, #tpu.memory_space<semaphore_mem>>) src(%arg3 : memref<100000xf32, #tpu.memory_space<vmem>>) dst(%dma_wait3A_265 : memref<100000xf32, #tpu.memory_space<hbm>>)
    %dma_wait3A_266 = tpu.memref_slice %arg2[%mul3A_34] : memref<102400000xf32, #tpu.memory_space<hbm>> -> memref<100000xf32, #tpu.memory_space<hbm>>
    %dma_wait3A_267 = tpu.memref_slice %arg2[%mul3A_34] : memref<102400000xf32, #tpu.memory_space<hbm>> -> memref<100000xf32, #tpu.memory_space<hbm>>
    tpu.wait_dma2 semaphore(%arg4 : memref<!tpu.dma_semaphore, #tpu.memory_space<semaphore_mem>>) src(%arg3 : memref<100000xf32, #tpu.memory_space<vmem>>) dst(%dma_wait3A_267 : memref<100000xf32, #tpu.memory_space<hbm>>)
    %dma_wait3A_268 = tpu.memref_slice %arg2[%mul3A_42] : memref<102400000xf32, #tpu.memory_space<hbm>> -> memref<100000xf32, #tpu.memory_space<hbm>>
    %dma_wait3A_269 = tpu.memref_slice %arg2[%mul3A_42] : memref<102400000xf32, #tpu.memory_space<hbm>> -> memref<100000xf32, #tpu.memory_space<hbm>>
    tpu.wait_dma2 semaphore(%arg4 : memref<!tpu.dma_semaphore, #tpu.memory_space<semaphore_mem>>) src(%arg3 : memref<100000xf32, #tpu.memory_space<vmem>>) dst(%dma_wait3A_269 : memref<100000xf32, #tpu.memory_space<hbm>>)
    %dma_wait3A_270 = tpu.memref_slice %arg2[%mul3A_50] : memref<102400000xf32, #tpu.memory_space<hbm>> -> memref<100000xf32, #tpu.memory_space<hbm>>
    %dma_wait3A_271 = tpu.memref_slice %arg2[%mul3A_50] : memref<102400000xf32, #tpu.memory_space<hbm>> -> memref<100000xf32, #tpu.memory_space<hbm>>
    tpu.wait_dma2 semaphore(%arg4 : memref<!tpu.dma_semaphore, #tpu.memory_space<semaphore_mem>>) src(%arg3 : memref<100000xf32, #tpu.memory_space<vmem>>) dst(%dma_wait3A_271 : memref<100000xf32, #tpu.memory_space<hbm>>)
    %dma_wait3A_272 = tpu.memref_slice %arg2[%mul3A_58] : memref<102400000xf32, #tpu.memory_space<hbm>> -> memref<100000xf32, #tpu.memory_space<hbm>>
    %dma_wait3A_273 = tpu.memref_slice %arg2[%mul3A_58] : memref<102400000xf32, #tpu.memory_space<hbm>> -> memref<100000xf32, #tpu.memory_space<hbm>>
    tpu.wait_dma2 semaphore(%arg4 : memref<!tpu.dma_semaphore, #tpu.memory_space<semaphore_mem>>) src(%arg3 : memref<100000xf32, #tpu.memory_space<vmem>>) dst(%dma_wait3A_273 : memref<100000xf32, #tpu.memory_space<hbm>>)
    %dma_wait3A_274 = tpu.memref_slice %arg2[%mul3A_66] : memref<102400000xf32, #tpu.memory_space<hbm>> -> memref<100000xf32, #tpu.memory_space<hbm>>
    %dma_wait3A_275 = tpu.memref_slice %arg2[%mul3A_66] : memref<102400000xf32, #tpu.memory_space<hbm>> -> memref<100000xf32, #tpu.memory_space<hbm>>
    tpu.wait_dma2 semaphore(%arg4 : memref<!tpu.dma_semaphore, #tpu.memory_space<semaphore_mem>>) src(%arg3 : memref<100000xf32, #tpu.memory_space<vmem>>) dst(%dma_wait3A_275 : memref<100000xf32, #tpu.memory_space<hbm>>)
    %dma_wait3A_276 = tpu.memref_slice %arg2[%mul3A_74] : memref<102400000xf32, #tpu.memory_space<hbm>> -> memref<100000xf32, #tpu.memory_space<hbm>>
    %dma_wait3A_277 = tpu.memref_slice %arg2[%mul3A_74] : memref<102400000xf32, #tpu.memory_space<hbm>> -> memref<100000xf32, #tpu.memory_space<hbm>>
    tpu.wait_dma2 semaphore(%arg4 : memref<!tpu.dma_semaphore, #tpu.memory_space<semaphore_mem>>) src(%arg3 : memref<100000xf32, #tpu.memory_space<vmem>>) dst(%dma_wait3A_277 : memref<100000xf32, #tpu.memory_space<hbm>>)
    %dma_wait3A_278 = tpu.memref_slice %arg2[%mul3A_82] : memref<102400000xf32, #tpu.memory_space<hbm>> -> memref<100000xf32, #tpu.memory_space<hbm>>
    %dma_wait3A_279 = tpu.memref_slice %arg2[%mul3A_82] : memref<102400000xf32, #tpu.memory_space<hbm>> -> memref<100000xf32, #tpu.memory_space<hbm>>
    tpu.wait_dma2 semaphore(%arg4 : memref<!tpu.dma_semaphore, #tpu.memory_space<semaphore_mem>>) src(%arg3 : memref<100000xf32, #tpu.memory_space<vmem>>) dst(%dma_wait3A_279 : memref<100000xf32, #tpu.memory_space<hbm>>)
    %dma_wait3A_280 = tpu.memref_slice %arg2[%mul3A_90] : memref<102400000xf32, #tpu.memory_space<hbm>> -> memref<100000xf32, #tpu.memory_space<hbm>>
    %dma_wait3A_281 = tpu.memref_slice %arg2[%mul3A_90] : memref<102400000xf32, #tpu.memory_space<hbm>> -> memref<100000xf32, #tpu.memory_space<hbm>>
    tpu.wait_dma2 semaphore(%arg4 : memref<!tpu.dma_semaphore, #tpu.memory_space<semaphore_mem>>) src(%arg3 : memref<100000xf32, #tpu.memory_space<vmem>>) dst(%dma_wait3A_281 : memref<100000xf32, #tpu.memory_space<hbm>>)
    %dma_wait3A_282 = tpu.memref_slice %arg2[%mul3A_98] : memref<102400000xf32, #tpu.memory_space<hbm>> -> memref<100000xf32, #tpu.memory_space<hbm>>
    %dma_wait3A_283 = tpu.memref_slice %arg2[%mul3A_98] : memref<102400000xf32, #tpu.memory_space<hbm>> -> memref<100000xf32, #tpu.memory_space<hbm>>
    tpu.wait_dma2 semaphore(%arg4 : memref<!tpu.dma_semaphore, #tpu.memory_space<semaphore_mem>>) src(%arg3 : memref<100000xf32, #tpu.memory_space<vmem>>) dst(%dma_wait3A_283 : memref<100000xf32, #tpu.memory_space<hbm>>)
    %dma_wait3A_284 = tpu.memref_slice %arg2[%mul3A_106] : memref<102400000xf32, #tpu.memory_space<hbm>> -> memref<100000xf32, #tpu.memory_space<hbm>>
    %dma_wait3A_285 = tpu.memref_slice %arg2[%mul3A_106] : memref<102400000xf32, #tpu.memory_space<hbm>> -> memref<100000xf32, #tpu.memory_space<hbm>>
    tpu.wait_dma2 semaphore(%arg4 : memref<!tpu.dma_semaphore, #tpu.memory_space<semaphore_mem>>) src(%arg3 : memref<100000xf32, #tpu.memory_space<vmem>>) dst(%dma_wait3A_285 : memref<100000xf32, #tpu.memory_space<hbm>>)
    %dma_wait3A_286 = tpu.memref_slice %arg2[%mul3A_114] : memref<102400000xf32, #tpu.memory_space<hbm>> -> memref<100000xf32, #tpu.memory_space<hbm>>
    %dma_wait3A_287 = tpu.memref_slice %arg2[%mul3A_114] : memref<102400000xf32, #tpu.memory_space<hbm>> -> memref<100000xf32, #tpu.memory_space<hbm>>
    tpu.wait_dma2 semaphore(%arg4 : memref<!tpu.dma_semaphore, #tpu.memory_space<semaphore_mem>>) src(%arg3 : memref<100000xf32, #tpu.memory_space<vmem>>) dst(%dma_wait3A_287 : memref<100000xf32, #tpu.memory_space<hbm>>)
    %dma_wait3A_288 = tpu.memref_slice %arg2[%mul3A_122] : memref<102400000xf32, #tpu.memory_space<hbm>> -> memref<100000xf32, #tpu.memory_space<hbm>>
    %dma_wait3A_289 = tpu.memref_slice %arg2[%mul3A_122] : memref<102400000xf32, #tpu.memory_space<hbm>> -> memref<100000xf32, #tpu.memory_space<hbm>>
    tpu.wait_dma2 semaphore(%arg4 : memref<!tpu.dma_semaphore, #tpu.memory_space<semaphore_mem>>) src(%arg3 : memref<100000xf32, #tpu.memory_space<vmem>>) dst(%dma_wait3A_289 : memref<100000xf32, #tpu.memory_space<hbm>>)
    %dma_wait3A_290 = tpu.memref_slice %arg2[%mul3A_130] : memref<102400000xf32, #tpu.memory_space<hbm>> -> memref<100000xf32, #tpu.memory_space<hbm>>
    %dma_wait3A_291 = tpu.memref_slice %arg2[%mul3A_130] : memref<102400000xf32, #tpu.memory_space<hbm>> -> memref<100000xf32, #tpu.memory_space<hbm>>
    tpu.wait_dma2 semaphore(%arg4 : memref<!tpu.dma_semaphore, #tpu.memory_space<semaphore_mem>>) src(%arg3 : memref<100000xf32, #tpu.memory_space<vmem>>) dst(%dma_wait3A_291 : memref<100000xf32, #tpu.memory_space<hbm>>)
    %dma_wait3A_292 = tpu.memref_slice %arg2[%mul3A_138] : memref<102400000xf32, #tpu.memory_space<hbm>> -> memref<100000xf32, #tpu.memory_space<hbm>>
    %dma_wait3A_293 = tpu.memref_slice %arg2[%mul3A_138] : memref<102400000xf32, #tpu.memory_space<hbm>> -> memref<100000xf32, #tpu.memory_space<hbm>>
    tpu.wait_dma2 semaphore(%arg4 : memref<!tpu.dma_semaphore, #tpu.memory_space<semaphore_mem>>) src(%arg3 : memref<100000xf32, #tpu.memory_space<vmem>>) dst(%dma_wait3A_293 : memref<100000xf32, #tpu.memory_space<hbm>>)
    %dma_wait3A_294 = tpu.memref_slice %arg2[%mul3A_146] : memref<102400000xf32, #tpu.memory_space<hbm>> -> memref<100000xf32, #tpu.memory_space<hbm>>
    %dma_wait3A_295 = tpu.memref_slice %arg2[%mul3A_146] : memref<102400000xf32, #tpu.memory_space<hbm>> -> memref<100000xf32, #tpu.memory_space<hbm>>
    tpu.wait_dma2 semaphore(%arg4 : memref<!tpu.dma_semaphore, #tpu.memory_space<semaphore_mem>>) src(%arg3 : memref<100000xf32, #tpu.memory_space<vmem>>) dst(%dma_wait3A_295 : memref<100000xf32, #tpu.memory_space<hbm>>)
    %dma_wait3A_296 = tpu.memref_slice %arg2[%mul3A_154] : memref<102400000xf32, #tpu.memory_space<hbm>> -> memref<100000xf32, #tpu.memory_space<hbm>>
    %dma_wait3A_297 = tpu.memref_slice %arg2[%mul3A_154] : memref<102400000xf32, #tpu.memory_space<hbm>> -> memref<100000xf32, #tpu.memory_space<hbm>>
    tpu.wait_dma2 semaphore(%arg4 : memref<!tpu.dma_semaphore, #tpu.memory_space<semaphore_mem>>) src(%arg3 : memref<100000xf32, #tpu.memory_space<vmem>>) dst(%dma_wait3A_297 : memref<100000xf32, #tpu.memory_space<hbm>>)
    %dma_wait3A_298 = tpu.memref_slice %arg2[%mul3A_162] : memref<102400000xf32, #tpu.memory_space<hbm>> -> memref<100000xf32, #tpu.memory_space<hbm>>
    %dma_wait3A_299 = tpu.memref_slice %arg2[%mul3A_162] : memref<102400000xf32, #tpu.memory_space<hbm>> -> memref<100000xf32, #tpu.memory_space<hbm>>
    tpu.wait_dma2 semaphore(%arg4 : memref<!tpu.dma_semaphore, #tpu.memory_space<semaphore_mem>>) src(%arg3 : memref<100000xf32, #tpu.memory_space<vmem>>) dst(%dma_wait3A_299 : memref<100000xf32, #tpu.memory_space<hbm>>)
    %dma_wait3A_300 = tpu.memref_slice %arg2[%mul3A_170] : memref<102400000xf32, #tpu.memory_space<hbm>> -> memref<100000xf32, #tpu.memory_space<hbm>>
    %dma_wait3A_301 = tpu.memref_slice %arg2[%mul3A_170] : memref<102400000xf32, #tpu.memory_space<hbm>> -> memref<100000xf32, #tpu.memory_space<hbm>>
    tpu.wait_dma2 semaphore(%arg4 : memref<!tpu.dma_semaphore, #tpu.memory_space<semaphore_mem>>) src(%arg3 : memref<100000xf32, #tpu.memory_space<vmem>>) dst(%dma_wait3A_301 : memref<100000xf32, #tpu.memory_space<hbm>>)
    %dma_wait3A_302 = tpu.memref_slice %arg2[%mul3A_178] : memref<102400000xf32, #tpu.memory_space<hbm>> -> memref<100000xf32, #tpu.memory_space<hbm>>
    %dma_wait3A_303 = tpu.memref_slice %arg2[%mul3A_178] : memref<102400000xf32, #tpu.memory_space<hbm>> -> memref<100000xf32, #tpu.memory_space<hbm>>
    tpu.wait_dma2 semaphore(%arg4 : memref<!tpu.dma_semaphore, #tpu.memory_space<semaphore_mem>>) src(%arg3 : memref<100000xf32, #tpu.memory_space<vmem>>) dst(%dma_wait3A_303 : memref<100000xf32, #tpu.memory_space<hbm>>)
    %dma_wait3A_304 = tpu.memref_slice %arg2[%mul3A_186] : memref<102400000xf32, #tpu.memory_space<hbm>> -> memref<100000xf32, #tpu.memory_space<hbm>>
    %dma_wait3A_305 = tpu.memref_slice %arg2[%mul3A_186] : memref<102400000xf32, #tpu.memory_space<hbm>> -> memref<100000xf32, #tpu.memory_space<hbm>>
    tpu.wait_dma2 semaphore(%arg4 : memref<!tpu.dma_semaphore, #tpu.memory_space<semaphore_mem>>) src(%arg3 : memref<100000xf32, #tpu.memory_space<vmem>>) dst(%dma_wait3A_305 : memref<100000xf32, #tpu.memory_space<hbm>>)
    %dma_wait3A_306 = tpu.memref_slice %arg2[%mul3A_194] : memref<102400000xf32, #tpu.memory_space<hbm>> -> memref<100000xf32, #tpu.memory_space<hbm>>
    %dma_wait3A_307 = tpu.memref_slice %arg2[%mul3A_194] : memref<102400000xf32, #tpu.memory_space<hbm>> -> memref<100000xf32, #tpu.memory_space<hbm>>
    tpu.wait_dma2 semaphore(%arg4 : memref<!tpu.dma_semaphore, #tpu.memory_space<semaphore_mem>>) src(%arg3 : memref<100000xf32, #tpu.memory_space<vmem>>) dst(%dma_wait3A_307 : memref<100000xf32, #tpu.memory_space<hbm>>)
    %dma_wait3A_308 = tpu.memref_slice %arg2[%mul3A_202] : memref<102400000xf32, #tpu.memory_space<hbm>> -> memref<100000xf32, #tpu.memory_space<hbm>>
    %dma_wait3A_309 = tpu.memref_slice %arg2[%mul3A_202] : memref<102400000xf32, #tpu.memory_space<hbm>> -> memref<100000xf32, #tpu.memory_space<hbm>>
    tpu.wait_dma2 semaphore(%arg4 : memref<!tpu.dma_semaphore, #tpu.memory_space<semaphore_mem>>) src(%arg3 : memref<100000xf32, #tpu.memory_space<vmem>>) dst(%dma_wait3A_309 : memref<100000xf32, #tpu.memory_space<hbm>>)
    %dma_wait3A_310 = tpu.memref_slice %arg2[%mul3A_210] : memref<102400000xf32, #tpu.memory_space<hbm>> -> memref<100000xf32, #tpu.memory_space<hbm>>
    %dma_wait3A_311 = tpu.memref_slice %arg2[%mul3A_210] : memref<102400000xf32, #tpu.memory_space<hbm>> -> memref<100000xf32, #tpu.memory_space<hbm>>
    tpu.wait_dma2 semaphore(%arg4 : memref<!tpu.dma_semaphore, #tpu.memory_space<semaphore_mem>>) src(%arg3 : memref<100000xf32, #tpu.memory_space<vmem>>) dst(%dma_wait3A_311 : memref<100000xf32, #tpu.memory_space<hbm>>)
    %dma_wait3A_312 = tpu.memref_slice %arg2[%mul3A_218] : memref<102400000xf32, #tpu.memory_space<hbm>> -> memref<100000xf32, #tpu.memory_space<hbm>>
    %dma_wait3A_313 = tpu.memref_slice %arg2[%mul3A_218] : memref<102400000xf32, #tpu.memory_space<hbm>> -> memref<100000xf32, #tpu.memory_space<hbm>>
    tpu.wait_dma2 semaphore(%arg4 : memref<!tpu.dma_semaphore, #tpu.memory_space<semaphore_mem>>) src(%arg3 : memref<100000xf32, #tpu.memory_space<vmem>>) dst(%dma_wait3A_313 : memref<100000xf32, #tpu.memory_space<hbm>>)
    %dma_wait3A_314 = tpu.memref_slice %arg2[%mul3A_226] : memref<102400000xf32, #tpu.memory_space<hbm>> -> memref<100000xf32, #tpu.memory_space<hbm>>
    %dma_wait3A_315 = tpu.memref_slice %arg2[%mul3A_226] : memref<102400000xf32, #tpu.memory_space<hbm>> -> memref<100000xf32, #tpu.memory_space<hbm>>
    tpu.wait_dma2 semaphore(%arg4 : memref<!tpu.dma_semaphore, #tpu.memory_space<semaphore_mem>>) src(%arg3 : memref<100000xf32, #tpu.memory_space<vmem>>) dst(%dma_wait3A_315 : memref<100000xf32, #tpu.memory_space<hbm>>)
    %dma_wait3A_316 = tpu.memref_slice %arg2[%mul3A_234] : memref<102400000xf32, #tpu.memory_space<hbm>> -> memref<100000xf32, #tpu.memory_space<hbm>>
    %dma_wait3A_317 = tpu.memref_slice %arg2[%mul3A_234] : memref<102400000xf32, #tpu.memory_space<hbm>> -> memref<100000xf32, #tpu.memory_space<hbm>>
    tpu.wait_dma2 semaphore(%arg4 : memref<!tpu.dma_semaphore, #tpu.memory_space<semaphore_mem>>) src(%arg3 : memref<100000xf32, #tpu.memory_space<vmem>>) dst(%dma_wait3A_317 : memref<100000xf32, #tpu.memory_space<hbm>>)
    %dma_wait3A_318 = tpu.memref_slice %arg2[%mul3A_242] : memref<102400000xf32, #tpu.memory_space<hbm>> -> memref<100000xf32, #tpu.memory_space<hbm>>
    %dma_wait3A_319 = tpu.memref_slice %arg2[%mul3A_242] : memref<102400000xf32, #tpu.memory_space<hbm>> -> memref<100000xf32, #tpu.memory_space<hbm>>
    tpu.wait_dma2 semaphore(%arg4 : memref<!tpu.dma_semaphore, #tpu.memory_space<semaphore_mem>>) src(%arg3 : memref<100000xf32, #tpu.memory_space<vmem>>) dst(%dma_wait3A_319 : memref<100000xf32, #tpu.memory_space<hbm>>)
    %dma_wait3A_320 = tpu.memref_slice %arg2[%mul3A_250] : memref<102400000xf32, #tpu.memory_space<hbm>> -> memref<100000xf32, #tpu.memory_space<hbm>>
    %dma_wait3A_321 = tpu.memref_slice %arg2[%mul3A_250] : memref<102400000xf32, #tpu.memory_space<hbm>> -> memref<100000xf32, #tpu.memory_space<hbm>>
    tpu.wait_dma2 semaphore(%arg4 : memref<!tpu.dma_semaphore, #tpu.memory_space<semaphore_mem>>) src(%arg3 : memref<100000xf32, #tpu.memory_space<vmem>>) dst(%dma_wait3A_321 : memref<100000xf32, #tpu.memory_space<hbm>>)
    %dma_wait3A_322 = tpu.memref_slice %arg2[%mul3A_258] : memref<102400000xf32, #tpu.memory_space<hbm>> -> memref<100000xf32, #tpu.memory_space<hbm>>
    %dma_wait3A_323 = tpu.memref_slice %arg2[%mul3A_258] : memref<102400000xf32, #tpu.memory_space<hbm>> -> memref<100000xf32, #tpu.memory_space<hbm>>
    tpu.wait_dma2 semaphore(%arg4 : memref<!tpu.dma_semaphore, #tpu.memory_space<semaphore_mem>>) src(%arg3 : memref<100000xf32, #tpu.memory_space<vmem>>) dst(%dma_wait3A_323 : memref<100000xf32, #tpu.memory_space<hbm>>)
    return
  }
}

module attributes {stable_mosaic.version = 14 : i64} {
  func.func @_scores_body(%arg0: i32, %arg1: memref<600x512xf32, #tpu.memory_space<vmem>>, %arg2: memref<512x128xf32, #tpu.memory_space<vmem>>, %arg3: memref<600x1xf32, #tpu.memory_space<vmem>>, %arg4: memref<50x600x128xf32, #tpu.memory_space<vmem>>, %arg5: memref<50x128xi32, #tpu.memory_space<vmem>>, %arg6: memref<50x128xf32, #tpu.memory_space<vmem>>) attributes {dimension_semantics = [#tpu.dimension_semantics<arbitrary>], iteration_bounds = array<i64: 8>, scalar_prefetch = 0 : i64, scratch_operands = 0 : i64, tpu.core_type = #tpu.core_type<tc>, window_params = [{pipeline_mode = #tpu.pipeline_mode<synchronous>, transform_indices = @transform_0, window_bounds = array<i64: 600, 512>}, {transform_indices = @transform_1, window_bounds = array<i64: 512, 128>}, {pipeline_mode = #tpu.pipeline_mode<synchronous>, transform_indices = @transform_2, window_bounds = array<i64: 600, 1>}, {transform_indices = @transform_3, window_bounds = array<i64: 50, 600, 128>}, {transform_indices = @transform_4, window_bounds = array<i64: 50, 128>}, {transform_indices = @transform_5, window_bounds = array<i64: 50, 128>}]} {
    %get3A = arith.constant 0 : index
    %get3A_0 = arith.constant 0 : index
    %get3A_1 = vector.load %arg1[%get3A, %get3A_0] : memref<600x512xf32, #tpu.memory_space<vmem>>, vector<600x512xf32>
    %get3A_2 = arith.constant 0 : index
    %get3A_3 = arith.constant 0 : index
    %get3A_4 = vector.load %arg2[%get3A_2, %get3A_3] : memref<512x128xf32, #tpu.memory_space<vmem>>, vector<512x128xf32>
    %dot_general3A = arith.constant dense<0.000000e+00> : vector<600x128xf32>
    %dot_general3A_5 = tpu.matmul %get3A_1, %get3A_4, %dot_general3A {dimension_numbers = #tpu.dot_dimension_numbers<[1], [0], [0], [1], [0, 0, 1, 1], [], []>, transpose_lhs_hint = false} : vector<600x512xf32>, vector<512x128xf32>, vector<600x128xf32> -> vector<600x128xf32>
    %get3A_6 = arith.constant 0 : index
    %get3A_7 = arith.constant 0 : index
    %get3A_8 = vector.load %arg3[%get3A_6, %get3A_7] : memref<600x1xf32, #tpu.memory_space<vmem>>, vector<600x1xf32>
    %add3A = vector.broadcast %get3A_8 : vector<600x1xf32> to vector<600x128xf32>
    %add3A_9 = arith.addf %dot_general3A_5, %add3A : vector<600x128xf32>
    %get3A_10 = arith.constant 0 : index
    %get3A_11 = arith.constant 0 : index
    %get3A_12 = arith.constant 0 : index
    %get3A_13 = vector.load %arg4[%get3A_10, %get3A_11, %get3A_12] : memref<50x600x128xf32, #tpu.memory_space<vmem>>, vector<50x600x128xf32>
    %broadcast_in_dim3A = vector.shape_cast %add3A_9 : vector<600x128xf32> to vector<1x600x128xf32>
    %mul3A = vector.broadcast %broadcast_in_dim3A : vector<1x600x128xf32> to vector<50x600x128xf32>
    %mul3A_14 = arith.mulf %get3A_13, %mul3A : vector<50x600x128xf32>
    %reduce_sum3A = arith.constant dense<0.000000e+00> : vector<50x128xf32>
    %reduce_sum3A_15 = vector.multi_reduction <add>, %mul3A_14, %reduce_sum3A [1] : vector<50x600x128xf32> to vector<50x128xf32>
    %reduce_max3A = arith.constant dense<0xFF800000> : vector<128xf32>
    %reduce_max3A_16 = vector.multi_reduction <maximumf>, %reduce_sum3A_15, %reduce_max3A [0] : vector<50x128xf32> to vector<128xf32>
    %broadcast_in_dim3A_17 = vector.shape_cast %reduce_max3A_16 : vector<128xf32> to vector<1x128xf32>
    %sub3A = vector.broadcast %broadcast_in_dim3A_17 : vector<1x128xf32> to vector<50x128xf32>
    %sub3A_18 = arith.subf %reduce_sum3A_15, %sub3A : vector<50x128xf32>
    %exp3A = math.exp %sub3A_18 : vector<50x128xf32>
    %reduce_sum3A_19 = arith.constant dense<0.000000e+00> : vector<128xf32>
    %reduce_sum3A_20 = vector.multi_reduction <add>, %exp3A, %reduce_sum3A_19 [0] : vector<50x128xf32> to vector<128xf32>
    %broadcast_in_dim3A_21 = vector.shape_cast %reduce_sum3A_20 : vector<128xf32> to vector<1x128xf32>
    %div3A = vector.broadcast %broadcast_in_dim3A_21 : vector<1x128xf32> to vector<50x128xf32>
    %div3A_22 = arith.divf %exp3A, %div3A : vector<50x128xf32>
    %get3A_23 = arith.constant 0 : index
    %get3A_24 = arith.constant 0 : index
    %get3A_25 = vector.load %arg5[%get3A_23, %get3A_24] : memref<50x128xi32, #tpu.memory_space<vmem>>, vector<50x128xi32>
    %broadcast_in_dim3A_26 = vector.shape_cast %get3A_25 : vector<50x128xi32> to vector<50x1x128xi32>
    %broadcast_in_dim3A_27 = vector.shape_cast %get3A_25 : vector<50x128xi32> to vector<1x50x128xi32>
    %eq3A = vector.broadcast %broadcast_in_dim3A_26 : vector<50x1x128xi32> to vector<50x50x128xi32>
    %eq3A_28 = vector.broadcast %broadcast_in_dim3A_27 : vector<1x50x128xi32> to vector<50x50x128xi32>
    %eq3A_29 = arith.cmpi eq, %eq3A, %eq3A_28 : vector<50x50x128xi32>
    %broadcast_in_dim3A_30 = vector.shape_cast %div3A_22 : vector<50x128xf32> to vector<1x50x128xf32>
    %jit3A = arith.constant 0.000000e+00 : f32
    %broadcast_in_dim3A_31 = vector.shape_cast %broadcast_in_dim3A_30 : vector<1x50x128xf32> to vector<1x50x128xf32>
    %broadcast_in_dim3A_32 = vector.broadcast %broadcast_in_dim3A_31 : vector<1x50x128xf32> to vector<50x50x128xf32>
    %broadcast_in_dim3A_33 = vector.broadcast %jit3A : f32 to vector<50x50x128xf32>
    %select_n3A = arith.select %eq3A_29, %broadcast_in_dim3A_32, %broadcast_in_dim3A_33 : vector<50x50x128xi1>, vector<50x50x128xf32>
    %reduce_sum3A_34 = arith.constant dense<0.000000e+00> : vector<50x128xf32>
    %reduce_sum3A_35 = vector.multi_reduction <add>, %select_n3A, %reduce_sum3A_34 [1] : vector<50x50x128xf32> to vector<50x128xf32>
    %add3A_36 = arith.constant 9.99999997E-7 : f32
    %add3A_37 = vector.broadcast %add3A_36 : f32 to vector<50x128xf32>
    %add3A_38 = arith.addf %reduce_sum3A_35, %add3A_37 : vector<50x128xf32>
    %swap3A = arith.constant 0 : index
    %swap3A_39 = arith.constant 0 : index
    %swap3A_40 = vector.load %arg6[%swap3A, %swap3A_39] : memref<50x128xf32, #tpu.memory_space<vmem>>, vector<50x128xf32>
    tpu.vector_store %arg6[%swap3A, %swap3A_39], %add3A_38 {strides = array<i32>} : memref<50x128xf32, #tpu.memory_space<vmem>>, vector<50x128xf32>,
    return
  }
  func.func @transform_0(%arg0: i32) -> (i32, i32) {
    %c0_i32 = arith.constant 0 : i32
    %c0_i32_0 = arith.constant 0 : i32
    %c0_i32_1 = arith.constant 0 : i32
    return %c0_i32, %c0_i32_0 : i32, i32
  }
  func.func @transform_1(%arg0: i32) -> (i32, i32) {
    %c0_i32 = arith.constant 0 : i32
    %c0_i32_0 = arith.constant 0 : i32
    return %c0_i32, %arg0 : i32, i32
  }
  func.func @transform_2(%arg0: i32) -> (i32, i32) {
    %c0_i32 = arith.constant 0 : i32
    %c0_i32_0 = arith.constant 0 : i32
    %c0_i32_1 = arith.constant 0 : i32
    return %c0_i32, %c0_i32_0 : i32, i32
  }
  func.func @transform_3(%arg0: i32) -> (i32, i32, i32) {
    %c0_i32 = arith.constant 0 : i32
    %c0_i32_0 = arith.constant 0 : i32
    %c0_i32_1 = arith.constant 0 : i32
    return %c0_i32, %c0_i32_0, %arg0 : i32, i32, i32
  }
  func.func @transform_4(%arg0: i32) -> (i32, i32) {
    %c0_i32 = arith.constant 0 : i32
    %c0_i32_0 = arith.constant 0 : i32
    return %c0_i32, %arg0 : i32, i32
  }
  func.func @transform_5(%arg0: i32) -> (i32, i32) {
    %c0_i32 = arith.constant 0 : i32
    %c0_i32_0 = arith.constant 0 : i32
    return %c0_i32, %arg0 : i32, i32
  }
}

module attributes {stable_mosaic.version = 14 : i64} {
  func.func @_relayout_body(%arg0: i32, %arg1: memref<819200xf32, #tpu.memory_space<vmem>>, %arg2: memref<800x1024xf32, #tpu.memory_space<vmem>>) attributes {dimension_semantics = [#tpu.dimension_semantics<arbitrary>], iteration_bounds = array<i64: 125>, scalar_prefetch = 0 : i64, scratch_operands = 0 : i64, tpu.core_type = #tpu.core_type<tc>, window_params = [{transform_indices = @transform_0, window_bounds = array<i64: 819200>}, {transform_indices = @transform_1, window_bounds = array<i64: 800, 1024>}]} {
    %get3A = arith.constant 0 : index
    %get3A_0 = vector.load %arg1[%get3A] : memref<819200xf32, #tpu.memory_space<vmem>>, vector<819200xf32>
    %reshape3A = vector.shape_cast %get3A_0 : vector<819200xf32> to vector<800x1024xf32>
    %swap3A = arith.constant 0 : index
    %swap3A_1 = arith.constant 0 : index
    %swap3A_2 = vector.load %arg2[%swap3A, %swap3A_1] : memref<800x1024xf32, #tpu.memory_space<vmem>>, vector<800x1024xf32>
    tpu.vector_store %arg2[%swap3A, %swap3A_1], %reshape3A {strides = array<i32>} : memref<800x1024xf32, #tpu.memory_space<vmem>>, vector<800x1024xf32>,
    return
  }
  func.func @transform_0(%arg0: i32) -> i32 {
    %c0_i32 = arith.constant 0 : i32
    return %arg0 : i32
  }
  func.func @transform_1(%arg0: i32) -> (i32, i32) {
    %c0_i32 = arith.constant 0 : i32
    %c0_i32_0 = arith.constant 0 : i32
    return %arg0, %c0_i32 : i32, i32
  }
}

</mosaic_0001>

<sc_bundles>
// kernel: kernel.6.cloned.1.call-start
scs
__scs_entry_jumppad:
0x0: {  	(pc) =	sbr.rel $0x88, $3  }
0x1: {  	(tag) =	ssettag $0x0;
	lr =	simm.s32 $0x1  }
0x2: {  	[smem:$0x3F9C] =	sst lr;
	_ =	strace $0xD0000000  }
0x3: {  	_ = 	snop  }
0x4: {  	_ = 	snop  }
0x5: {  	_ = 	snop  }
0x6: {  	_ = 	snop  }
0x7: {  	_ = 	snop  }
__scs_overlays_trampoline_lowered:
0x8: {  	[smem:$0x3FAB] =	sst s0  }
0x9: {  	[smem:$0x3FAC] =	sst s1  }
0xa: {  	[smem:$0x3FAD] =	sst s2  }
0xb: {  	[smem:$0x3FAE] =	sst s3  }
0xc: {  	[smem:$0x3FAF] =	sst s4  }
0xd: {  	[smem:$0x3FB0] =	sst s5  }
0xe: {  	[smem:$0x3FB1] =	sst s6  }
0xf: {  	[smem:$0x3FB2] =	sst s7  }
0x10: {  	[smem:$0x3FB3] =	sst s8  }
0x11: {  	[smem:$0x3FB4] =	sst s9;
	s0 =	simm.s32 @!p0 $0x0  }
0x12: {  	s1 =	sld [smem:$0x3F9A];
	s0 =	simm.s32 @p0 $0x1  }
0x13: {  	[smem:$0x3FB5] =	sst s0;
	s0 =	simm.s32 @!p1 $0x0  }
0x14: {  	s2 =	sld [smem:$0x3F99];
	s0 =	simm.s32 @p1 $0x1  }
0x15: {  	[smem:$0x3FB6] =	sst s0;
	s0 =	simm.s32 @!p2 $0x0  }
0x16: {  	s3 =	sld [smem:$0x3FDB];
	s0 =	simm.s32 @p2 $0x1  }
0x17: {  	s4 =	simm.s32 $0x1BF5;
	[smem:$0x3FB8] =	sst s0  }
0x18: {  	s0 =	sld [smem:$0x3F9B];
	_ =	swait.ge [sflag:s4], $0x0  }
0x19: {  	s7 =	sld [smem:$0x3F9C]  }
0x1a: {  	s8 =	sadd.s32 $0xFFFFE003, lr  }
0x1b: {  	s9 =	sadd.s32 $0xFFFFFEF7, lr;
	s5 =	simm.s32 $0xFFFFFFFF;
	p2 =	slt.u32 s8, $0xFFFFF086  }
0x1c: {  	p1 =	slt.u32 s9, $0xF7A;
	s5 =	simm.s32 @!p2 $0x0  }
0x1d: {  	s5 =	simm.s32 @p1 $0x1;
	p0 =	seq.s32 s7, s2  }
0x1e: {  	s7 =	smul.u32 @!p0 $0xF7A, s2;
	p2 =	seq.s32 @!p0 s5, $0x0  }
0x1f: {  	s9 =	smul.u32 $0xF7A, s1;
	s8 =	simm.s32 @!p0 $0x1BF5;
	p2 =	por !p2, p0  }
0x20: {  	[sflag:s8] =	ssyncset.s32 @!p0 $0xFFFFF086;
	s6 =	sadd.s32 @!p0 s3, s7;
	s7 =	simm.s32 @!p0 $0x108  }
0x21: {  	s3 =	sadd.s32 s3, s9;
	s6 =	sadd.s32 @!p0 $0x88, s6;
	s7 =	simm.s32 @p2 $0x1082  }
0x22: {  	[simem:s7], [sflag:s8] =	dma.local @!p0 [hbm:s6], $0xF7A  }
0x23: {  	s9 =	sor.u32 $0xD0000000, s2;
	s6 =	simm.s32 $0x108;
	_ =	swait.ge @!p0 [sflag:s8], $0x0  }
0x24: {  	s3 =	sadd.s32 $0x88, s3;
	s6 =	simm.s32 @!p1 $0x1082;
	[sflag:s4] =	ssyncset.s32 $0xFFFFF086  }
0x25: {  	[simem:s6], [sflag:s4] =	dma.local [hbm:s3], $0xF7A  }
0x26: {  	[smem:$0x3F9C] =	sst s1;
	(tag) =	ssettag s2;
	_ =	strace s9  }
0x27: {  	s1 =	sld [smem:$0x3FAC]  }
0x28: {  	s2 =	sld [smem:$0x3FAD]  }
0x29: {  	s4 =	sld [smem:$0x3FAF]  }
0x2a: {  	p0 =	seq.s32 s5, $0x0;
	s5 =	sld [smem:$0x3FB0]  }
0x2b: {  	s6 =	sld [smem:$0x3FB1]  }
0x2c: {  	s7 =	sld [smem:$0x3FB2]  }
0x2d: {  	s3 =	simm.s32 $0x108;
	s8 =	sld [smem:$0x3FB3]  }
0x2e: {  	s3 =	simm.s32 @!p0 $0x1082;
	s9 =	sld [smem:$0x3FB4]  }
0x2f: {  	lr =	sadd.s32 s0, s3;
	s0 =	sld [smem:$0x3FAB]  }
0x30: {  	s3 =	sld [smem:$0x3FAE]  }
0x31: {  	[smem:$0x3FB7] =	sst s10  }
0x32: {  	s10 =	sld [smem:$0x3FB5];
	_ =	sdelay $0x3  }
0x33: {  	p0 =	seq.s32 s10, $0x1;
	s10 =	sld [smem:$0x3FB7];
	_ =	sdelay $0x3  }
0x34: {  	[smem:$0x3FB7] =	sst s10  }
0x35: {  	s10 =	sld [smem:$0x3FB6];
	_ =	sdelay $0x3  }
0x36: {  	p1 =	seq.s32 s10, $0x1;
	s10 =	sld [smem:$0x3FB7];
	_ =	sdelay $0x3  }
0x37: {  	[smem:$0x3FB7] =	sst s10  }
0x38: {  	s10 =	sld [smem:$0x3FB8]  }
0x39: {  	_ = 	snop;
	(pc) =	sbr.ind lr, $3  }
0x3a: {  	_ = 	snop  }
0x3b: {  	_ = 	snop  }
0x3c: {  	p2 =	seq.s32 s10, $0x1;
	s10 =	sld [smem:$0x3FB7]  }
0x3d: {  	_ =	shalt  }
0x3e: {  	_ =	shalt  }
0x3f: {  	_ =	shalt  }
0x40: {  	_ =	shalt  }
0x41: {  	_ =	shalt  }
0x42: {  	_ =	shalt  }
0x43: {  	_ =	shalt  }
0x44: {  	_ =	shalt  }
0x45: {  	_ =	shalt  }
0x46: {  	_ =	shalt  }
0x47: {  	_ =	shalt  }
0x48: {  	_ =	shalt  }
0x49: {  	_ =	shalt  }
0x4a: {  	_ =	shalt  }
0x4b: {  	_ =	shalt  }
0x4c: {  	_ =	shalt  }
0x4d: {  	_ =	shalt  }
0x4e: {  	_ =	shalt  }
0x4f: {  	_ =	shalt  }
0x50: {  	_ =	shalt  }
0x51: {  	_ =	shalt  }
0x52: {  	_ =	shalt  }
0x53: {  	_ =	shalt  }
0x54: {  	_ =	shalt  }
0x55: {  	_ =	shalt  }
0x56: {  	_ =	shalt  }
0x57: {  	_ =	shalt  }
0x58: {  	_ =	shalt  }
0x59: {  	_ =	shalt  }
0x5a: {  	_ =	shalt  }
0x5b: {  	_ =	shalt  }
0x5c: {  	_ =	shalt  }
0x5d: {  	_ =	shalt  }
0x5e: {  	_ =	shalt  }
0x5f: {  	_ =	shalt  }
0x60: {  	_ =	shalt  }
0x61: {  	_ =	shalt  }
0x62: {  	_ =	shalt  }
0x63: {  	_ =	shalt  }
0x64: {  	_ =	shalt  }
0x65: {  	_ =	shalt  }
0x66: {  	_ =	shalt  }
0x67: {  	_ =	shalt  }
0x68: {  	_ =	shalt  }
0x69: {  	_ =	shalt  }
0x6a: {  	_ =	shalt  }
0x6b: {  	_ =	shalt  }
0x6c: {  	_ =	shalt  }
0x6d: {  	_ =	shalt  }
0x6e: {  	_ =	shalt  }
0x6f: {  	_ =	shalt  }
0x70: {  	_ =	shalt  }
0x71: {  	_ =	shalt  }
0x72: {  	_ =	shalt  }
0x73: {  	_ =	shalt  }
0x74: {  	_ =	shalt  }
0x75: {  	_ =	shalt  }
0x76: {  	_ =	shalt  }
0x77: {  	_ =	shalt  }
0x78: {  	_ =	shalt  }
0x79: {  	_ =	shalt  }
0x7a: {  	_ =	shalt  }
0x7b: {  	_ =	shalt  }
0x7c: {  	_ =	shalt  }
0x7d: {  	_ =	shalt  }
0x7e: {  	_ =	shalt  }
0x7f: {  	_ =	shalt  }
0x80: {  	_ =	shalt  }
0x81: {  	_ =	shalt  }
0x82: {  	_ =	shalt  }
0x83: {  	_ =	shalt  }
0x84: {  	_ =	shalt  }
0x85: {  	_ =	shalt  }
0x86: {  	_ =	shalt  }
0x87: {  	_ =	shalt  }
.Lfunc_end0:
.L_simem_size_0:
called_computation_lowered:
.L_overlay_start_0:
0x88: {  	s2 =	sld [smem:$0x3FD9]  }
0x89: {  	s3 =	sld [smem:$0x3FFE];
	_ =	sdelay $0x1  }
0x8a: {  	s1 =	srdreg.scid  }
0x8b: {  	s0 =	sand.u32 $0x1, s1  }
0x8c: {  	s16 =	sshll.u32 s0, $0xA;
	s2 =	sadd.s32 s3, s2  }
0x8d: {  	s2 =	sadd.s32 s2, s16  }
0x8e: {  	[smem:$0x3FC3] =	sst s2  }
0x8f: {  	_ = 	snop  }
0x90: {  	(tm) =	ssettm $0x1  }
0x91: {  	s17 =	sld [smem:$0x3FFB];
	_ =	sdelay $0x3  }
0x92: {  	_ =	strace s17  }
0x93: {  	s2 =	sld [smem:$0x3FFC];
	_ =	sdelay $0x3  }
0x94: {  	_ =	strace s2  }
0x95: {  	s2 =	sld [smem:$0x3FFD];
	_ =	sdelay $0x3  }
0x96: {  	_ =	strace s2  }
0x97: {  	_ =	strace $0x8FFFFFFF  }
0x98: {  	s18 =	sld [smem:$0x3FDB];
	_ =	sdelay $0x1  }
0x99: {  	s19 =	simm.s32 $_scs_section_size  }
0x9a: {  	s4 =	simm.s32 $_size__tile_overlayer_lowered;
	s5 =	simm.s32 $_tile_overlayer_lowered  }
0x9b: {  	s22 =	simm.s32 $0x1BFF;
	s21 =	sshll.u32 s5, $0x1;
	s2 =	sadd.s32 s19, s18  }
0x9c: {  	s6 =	simm.s32 $0x0;
	s20 =	sshll.u32 s4, $0x1;
	s4 =	sadd.s32 s21, s2  }
0x9d: {  	[timem:s6], [sflag:s22] =	dma.local [hbm:s4], s20  }
0x9e: {  	_ =	swait.ge [sflag:s22], s20  }
0x9f: {  	s3 =	ssub.s32 $0x0, s20;
	[sflag:s22] =	ssyncset.done $0x0  }
0xa0: {  	[sflag:s22] =	ssyncadd.s32 s3;
	_ =	sdelay $0x1  }
0xa1: {  	s23 =	simm.s32 $0x1B8B  }
0xa2: {  	_ =	swait.ge [sflag:s23], $0x1  }
0xa3: {  	[sflag:s23] =	ssyncset.done $0x0  }
0xa4: {  	s25 =	simm.s32 $0x1B8E;
	s24 =	sld [smem:$0x3FFE];
	[sflag:s23] =	ssyncadd.s32 $0xFFFFFFFF  }
0xa5: {  	s26 =	simm.s32 $execute0_lowered;
	[smem:$0x3FD2] =	sst s25  }
0xa6: {  	s4 =	sshll.u32 s26, $0x1;
	_ =	strace $0x80000046;
	[dreg:$0x1] =	wrdreg $0xFFFFFFFF  }
0xa7: {  	s28 =	simm.s32 $_size_execute0_lowered;
	s2 =	sadd.s32 s2, s4;
	[dreg:$0x0] =	wrdreg $0x0  }
0xa8: {  	s4 =	sshll.u32 s28, $0x1;
	[dreg:$0x2] =	wrdreg s2  }
0xa9: {  	[dreg:$0x3] =	wrdreg s4  }
0xaa: {  	[dreg:$0x4] =	wrdreg $0xC0  }
0xab: {  	_ =	task [dreg:s6], $0x5FFFF  }
0xac: {  	[dreg:$0x1] =	wrdreg $0xFFFFFFFF  }
0xad: {  	[dreg:$0x0] =	wrdreg $0x60  }
0xae: {  	[dreg:$0x2] =	wrdreg s24  }
0xaf: {  	[dreg:$0x3] =	wrdreg $0x9  }
0xb0: {  	_ =	task.clear_ibuf [dreg:s6], $0x4FFFF;
	_ =	strace $0x90000046  }
0xb1: {  	s29 =	simm.s32 $0x9;
	_ =	strace $0x80000048  }
0xb2: {  	_ =	swait.ge [sflag:s29], $0x1  }
0xb3: {  	[sflag:s29] =	ssyncadd.s32 $0xFFFFFFFF  }
0xb4: {  	_ =	strace $0x90000048  }
0xb5: {  	_ =	sfence  }
0xb6: {  	s30 =	sld [smem:$0x0];
	_ =	sdelay $0x2  }
0xb7: {  	s31 =	sshll.u32 s1, $0xD;
	s1 =	sshrl.u32 s1, $0x2  }
0xb8: {  	s3 =	sand.u32 $0x4000, s31;
	s1 =	sadd.s32 s1, s30  }
0xb9: {  	s0 =	sor.u32 s3, s0;
	s1 =	sshll.u32 s1, $0x11  }
0xba: {  	s0 =	sor.u32 s1, s0  }
0xbb: {  	s0 =	sadd.s32 $0x8F2B, s0  }
0xbc: {  	[sflag:s0] =	ssyncadd.remote.s32 $0x1  }
0xbd: {  	_ =	sfence.sel $0xFFFF  }
0xbe: {  	[dreg:$0x0] =	wrdreg $0xFFFFFFFF;
	(pc) =	sbr.abs _section_cstart, $3  }
0xbf: {  	[dreg:$0x1] =	wrdreg $0xFFFFFFFF  }
0xc0: {  	_ =	task.clear_ibuf [dreg:s6], $0x2FFFF;
	_ =	strace $0x9FFFFFFF  }
0xc1: {  	(tm) =	ssettm $0x7FFFFFFF  }
tec
execute0_lowered:
.L_overlay_start_1:
0x0: {  	(tag) =	ssettag $0x1  }
0x1: {  	s0 =	srdreg.scid;
	s1 =	stileid.u32  }
0x2: {  	s3 =	rddreg [dreg:$0x0];
	s0 =	sand.u32 $0x1, s0;
	s1 =	sshll.u32 s1, $0x1  }
0x3: {  	s2 =	simm.s32 $0x0;
	s6 =	simm.s32 $0x1;
	s1 =	sor.u32 s0, s1  }
0x4: {  	s7 =	simm.s32 $0x0;
	[smem:$0x7FF] =	sst s2;
	s4 =	smul.u32 $0x30D400, s1  }
0x5: {  	s3 =	sadd.s32 $0x1000, s3;
	s0 =	ssub.s32 $0x2, s0;
	s1 =	smul.u32 $0x61A80, s1  }
0x6: {  	_ =	strace $0x80000047;
	s5 =	sshrl.u32 s0, $0x1;
	s4 =	sshrl.u32 s4, $0x3  }
0x7: {  	s5 =	ssub.s32 s0, s5;
	s20 =	sadd.s32 s3, s1;
	s4 =	sadd.s32 s3, s4  }
0x8: {  	s5 =	smax.u32 s5, $0x1;
	[dreg:$0x2] =	wrdreg s20;
	s21 =	sadd.s32 $0x30D4, s4  }
0x9: {  	s22 =	sadd.s32 $0x61A8, s4;
	s23 =	sadd.s32 $0x927C, s4;
	s24 =	sadd.s32 $0xC350, s4  }
0xa: {  	s25 =	sadd.s32 $0xF424, s4;
	s26 =	sadd.s32 $0x124F8, s4;
	s10 =	sadd.s32 $0x155CC, s4  }
0xb: {  	s11 =	sadd.s32 $0x186A0, s4;
	s12 =	sadd.s32 $0x1B774, s4;
	s13 =	sadd.s32 $0x1E848, s4  }
0xc: {  	s14 =	sadd.s32 $0x2191C, s4;
	s15 =	sadd.s32 $0x249F0, s4;
	s16 =	sadd.s32 $0x27AC4, s4  }
0xd: {  	s17 =	sadd.s32 $0x2AB98, s4;
	s18 =	sadd.s32 $0x2DC6C, s4;
	[dreg:$0x3] =	wrdreg s21  }
0xe: {  	s19 =	sadd.s32 $0x30D40, s4;
	s20 =	sadd.s32 $0x33E14, s4;
	[dreg:$0x4] =	wrdreg s22  }
0xf: {  	s28 =	sadd.s32 $0x493E0, s4;
	s29 =	sadd.s32 $0x4C4B4, s4;
	[dreg:$0x5] =	wrdreg s23  }
0x10: {  	s30 =	sadd.s32 $0x4F588, s4;
	s31 =	sadd.s32 $0x5265C, s4;
	[dreg:$0x6] =	wrdreg s24  }
0x11: {  	s1 =	sadd.s32 $0x55730, s4;
	s0 =	sadd.s32 $0x58804, s4;
	[dreg:$0x7] =	wrdreg s25  }
0x12: {  	s3 =	sadd.s32 $0x5B8D8, s4;
	[dreg:$0x8] =	wrdreg s26;
	s21 =	sadd.s32 $0x36EE8, s4  }
0x13: {  	s22 =	sadd.s32 $0x39FBC, s4;
	s23 =	sadd.s32 $0x3D090, s4;
	s24 =	sadd.s32 $0x40164, s4  }
0x14: {  	v0 =	vimm.f32 $9.999999970e-07;
	s25 =	sadd.s32 $0x43238, s4;
	s26 =	sadd.s32 $0x4630C, s4;
	s4 =	sadd.s32 $0x5E9AC, s4  }
.LBB2_1:
0x15: {  	s8 =	simm.s32 $0x40;
	s9 =	simm.s32 $0x0  }
.LBB2_2:
0x16: {  	p0 =	sne.s32 s8, $0x61A40;
	[tilespmem:s9+$0x0] =	vst v0;
	s9 =	smov.u32 s8;
	s8 =	sadd.s32 $0x40, s8  }
.Ltmp0:
0x17: {  	(pc) =	sbr.rel @p0 .LBB2_2-.Ltmp0, $2  }
0x18: {  	_ =	sdelay $0x2  }
0x19: {  	s9 =	sshra.s32 s9, $0x2  }
0x1a: {  	[tilespmem:s9+$0x0] =	vst v0;
	s8 =	rddreg [dreg:$0x2]  }
0x1b: {  	[hbm4b:s8+s2] =	stream.linear.scatter [tilespmem:s2], [sflag:$0x1], $0x186A0, $0x38;
	[tilespmem:$0x18700] =	vst v63  }
0x1c: {  	s9 =	rddreg [dreg:$0x3]  }
0x1d: {  	[hbm4b:s9+s2] =	stream.linear.scatter [tilespmem:s2], [sflag:$0x1], $0x186A0, $0x38;
	[tilespmem:$0x18700] =	vst v63  }
0x1e: {  	s9 =	rddreg [dreg:$0x4]  }
0x1f: {  	[hbm4b:s9+s2] =	stream.linear.scatter [tilespmem:s2], [sflag:$0x1], $0x186A0, $0x38;
	[tilespmem:$0x18700] =	vst v63  }
0x20: {  	s9 =	rddreg [dreg:$0x5]  }
0x21: {  	[hbm4b:s9+s2] =	stream.linear.scatter [tilespmem:s2], [sflag:$0x1], $0x186A0, $0x38;
	[tilespmem:$0x18700] =	vst v63  }
0x22: {  	s9 =	rddreg [dreg:$0x6]  }
0x23: {  	[hbm4b:s9+s2] =	stream.linear.scatter [tilespmem:s2], [sflag:$0x1], $0x186A0, $0x38;
	[tilespmem:$0x18700] =	vst v63  }
0x24: {  	s9 =	rddreg [dreg:$0x7]  }
0x25: {  	[hbm4b:s9+s2] =	stream.linear.scatter [tilespmem:s2], [sflag:$0x1], $0x186A0, $0x38;
	[tilespmem:$0x18700] =	vst v63  }
0x26: {  	s9 =	rddreg [dreg:$0x8]  }
0x27: {  	[hbm4b:s9+s2] =	stream.linear.scatter [tilespmem:s2], [sflag:$0x1], $0x186A0, $0x38;
	[tilespmem:$0x18700] =	vst v63  }
0x28: {  	_ = 	snop  }
0x29: {  	[hbm4b:s10+s2] =	stream.linear.scatter [tilespmem:s2], [sflag:$0x1], $0x186A0, $0x38;
	[tilespmem:$0x18700] =	vst v63  }
0x2a: {  	_ = 	snop  }
0x2b: {  	[hbm4b:s11+s2] =	stream.linear.scatter [tilespmem:s2], [sflag:$0x1], $0x186A0, $0x38;
	[tilespmem:$0x18700] =	vst v63  }
0x2c: {  	_ = 	snop  }
0x2d: {  	[hbm4b:s12+s2] =	stream.linear.scatter [tilespmem:s2], [sflag:$0x1], $0x186A0, $0x38;
	[tilespmem:$0x18700] =	vst v63  }
0x2e: {  	_ = 	snop  }
0x2f: {  	[hbm4b:s13+s2] =	stream.linear.scatter [tilespmem:s2], [sflag:$0x1], $0x186A0, $0x38;
	[tilespmem:$0x18700] =	vst v63  }
0x30: {  	_ = 	snop  }
0x31: {  	[hbm4b:s14+s2] =	stream.linear.scatter [tilespmem:s2], [sflag:$0x1], $0x186A0, $0x38;
	[tilespmem:$0x18700] =	vst v63  }
0x32: {  	_ = 	snop  }
0x33: {  	[hbm4b:s15+s2] =	stream.linear.scatter [tilespmem:s2], [sflag:$0x1], $0x186A0, $0x38;
	[tilespmem:$0x18700] =	vst v63  }
0x34: {  	_ = 	snop  }
0x35: {  	[hbm4b:s16+s2] =	stream.linear.scatter [tilespmem:s2], [sflag:$0x1], $0x186A0, $0x38;
	[tilespmem:$0x18700] =	vst v63  }
0x36: {  	_ = 	snop  }
0x37: {  	[hbm4b:s17+s2] =	stream.linear.scatter [tilespmem:s2], [sflag:$0x1], $0x186A0, $0x38;
	[tilespmem:$0x18700] =	vst v63  }
0x38: {  	_ = 	snop  }
0x39: {  	[hbm4b:s18+s2] =	stream.linear.scatter [tilespmem:s2], [sflag:$0x1], $0x186A0, $0x38;
	[tilespmem:$0x18700] =	vst v63  }
0x3a: {  	_ = 	snop  }
0x3b: {  	[hbm4b:s19+s2] =	stream.linear.scatter [tilespmem:s2], [sflag:$0x1], $0x186A0, $0x38;
	[tilespmem:$0x18700] =	vst v63  }
0x3c: {  	_ = 	snop  }
0x3d: {  	[hbm4b:s20+s2] =	stream.linear.scatter [tilespmem:s2], [sflag:$0x1], $0x186A0, $0x38;
	[tilespmem:$0x18700] =	vst v63  }
0x3e: {  	_ = 	snop  }
0x3f: {  	[hbm4b:s21+s2] =	stream.linear.scatter [tilespmem:s2], [sflag:$0x1], $0x186A0, $0x38;
	[tilespmem:$0x18700] =	vst v63  }
0x40: {  	_ = 	snop  }
0x41: {  	[hbm4b:s22+s2] =	stream.linear.scatter [tilespmem:s2], [sflag:$0x1], $0x186A0, $0x38;
	[tilespmem:$0x18700] =	vst v63  }
0x42: {  	_ = 	snop  }
0x43: {  	[hbm4b:s23+s2] =	stream.linear.scatter [tilespmem:s2], [sflag:$0x1], $0x186A0, $0x38;
	[tilespmem:$0x18700] =	vst v63  }
0x44: {  	_ = 	snop  }
0x45: {  	[hbm4b:s24+s2] =	stream.linear.scatter [tilespmem:s2], [sflag:$0x1], $0x186A0, $0x38;
	[tilespmem:$0x18700] =	vst v63  }
0x46: {  	_ = 	snop  }
0x47: {  	[hbm4b:s25+s2] =	stream.linear.scatter [tilespmem:s2], [sflag:$0x1], $0x186A0, $0x38;
	[tilespmem:$0x18700] =	vst v63  }
0x48: {  	_ = 	snop  }
0x49: {  	[hbm4b:s26+s2] =	stream.linear.scatter [tilespmem:s2], [sflag:$0x1], $0x186A0, $0x38;
	[tilespmem:$0x18700] =	vst v63  }
0x4a: {  	_ = 	snop  }
0x4b: {  	[hbm4b:s28+s2] =	stream.linear.scatter [tilespmem:s2], [sflag:$0x1], $0x186A0, $0x38;
	[tilespmem:$0x18700] =	vst v63  }
0x4c: {  	_ = 	snop  }
0x4d: {  	[hbm4b:s29+s2] =	stream.linear.scatter [tilespmem:s2], [sflag:$0x1], $0x186A0, $0x38;
	[tilespmem:$0x18700] =	vst v63  }
0x4e: {  	_ = 	snop  }
0x4f: {  	[hbm4b:s30+s2] =	stream.linear.scatter [tilespmem:s2], [sflag:$0x1], $0x186A0, $0x38;
	[tilespmem:$0x18700] =	vst v63  }
0x50: {  	_ = 	snop  }
0x51: {  	[hbm4b:s31+s2] =	stream.linear.scatter [tilespmem:s2], [sflag:$0x1], $0x186A0, $0x38;
	[tilespmem:$0x18700] =	vst v63  }
0x52: {  	_ = 	snop  }
0x53: {  	[hbm4b:s1+s2] =	stream.linear.scatter [tilespmem:s2], [sflag:$0x1], $0x186A0, $0x38;
	[tilespmem:$0x18700] =	vst v63  }
0x54: {  	_ = 	snop  }
0x55: {  	[hbm4b:s0+s2] =	stream.linear.scatter [tilespmem:s2], [sflag:$0x1], $0x186A0, $0x38;
	[tilespmem:$0x18700] =	vst v63  }
0x56: {  	_ = 	snop  }
0x57: {  	[hbm4b:s3+s2] =	stream.linear.scatter [tilespmem:s2], [sflag:$0x1], $0x186A0, $0x38;
	[tilespmem:$0x18700] =	vst v63  }
0x58: {  	_ = 	snop  }
0x59: {  	[hbm4b:s4+s2] =	stream.linear.scatter [tilespmem:s2], [sflag:$0x1], $0x186A0, $0x38;
	[tilespmem:$0x18700] =	vst v63  }
0x5a: {  	_ =	swait.ge [sflag:s6], $0x186A0  }
0x5b: {  	[sflag:s6] =	ssyncset.done $0x0  }
0x5c: {  	[sflag:s6] =	ssyncadd.s32 $0xFFFE7960  }
0x5d: {  	_ =	swait.ge [sflag:s6], $0x186A0  }
0x5e: {  	[sflag:s6] =	ssyncset.done $0x0  }
0x5f: {  	[sflag:s6] =	ssyncadd.s32 $0xFFFE7960  }
0x60: {  	_ =	swait.ge [sflag:s6], $0x186A0  }
0x61: {  	[sflag:s6] =	ssyncset.done $0x0  }
0x62: {  	[sflag:s6] =	ssyncadd.s32 $0xFFFE7960  }
0x63: {  	_ =	swait.ge [sflag:s6], $0x186A0  }
0x64: {  	[sflag:s6] =	ssyncset.done $0x0  }
0x65: {  	[sflag:s6] =	ssyncadd.s32 $0xFFFE7960  }
0x66: {  	_ =	swait.ge [sflag:s6], $0x186A0  }
0x67: {  	[sflag:s6] =	ssyncset.done $0x0  }
0x68: {  	[sflag:s6] =	ssyncadd.s32 $0xFFFE7960  }
0x69: {  	_ =	swait.ge [sflag:s6], $0x186A0  }
0x6a: {  	[sflag:s6] =	ssyncset.done $0x0  }
0x6b: {  	[sflag:s6] =	ssyncadd.s32 $0xFFFE7960  }
0x6c: {  	_ =	swait.ge [sflag:s6], $0x186A0  }
0x6d: {  	[sflag:s6] =	ssyncset.done $0x0  }
0x6e: {  	[sflag:s6] =	ssyncadd.s32 $0xFFFE7960  }
0x6f: {  	_ =	swait.ge [sflag:s6], $0x186A0  }
0x70: {  	[sflag:s6] =	ssyncset.done $0x0  }
0x71: {  	[sflag:s6] =	ssyncadd.s32 $0xFFFE7960  }
0x72: {  	_ =	swait.ge [sflag:s6], $0x186A0  }
0x73: {  	[sflag:s6] =	ssyncset.done $0x0  }
0x74: {  	[sflag:s6] =	ssyncadd.s32 $0xFFFE7960  }
0x75: {  	_ =	swait.ge [sflag:s6], $0x186A0  }
0x76: {  	[sflag:s6] =	ssyncset.done $0x0  }
0x77: {  	[sflag:s6] =	ssyncadd.s32 $0xFFFE7960  }
0x78: {  	_ =	swait.ge [sflag:s6], $0x186A0  }
0x79: {  	[sflag:s6] =	ssyncset.done $0x0  }
0x7a: {  	[sflag:s6] =	ssyncadd.s32 $0xFFFE7960  }
0x7b: {  	_ =	swait.ge [sflag:s6], $0x186A0  }
0x7c: {  	[sflag:s6] =	ssyncset.done $0x0  }
0x7d: {  	[sflag:s6] =	ssyncadd.s32 $0xFFFE7960  }
0x7e: {  	_ =	swait.ge [sflag:s6], $0x186A0  }
0x7f: {  	[sflag:s6] =	ssyncset.done $0x0  }
0x80: {  	[sflag:s6] =	ssyncadd.s32 $0xFFFE7960  }
0x81: {  	_ =	swait.ge [sflag:s6], $0x186A0  }
0x82: {  	[sflag:s6] =	ssyncset.done $0x0  }
0x83: {  	[sflag:s6] =	ssyncadd.s32 $0xFFFE7960  }
0x84: {  	_ =	swait.ge [sflag:s6], $0x186A0  }
0x85: {  	[sflag:s6] =	ssyncset.done $0x0  }
0x86: {  	[sflag:s6] =	ssyncadd.s32 $0xFFFE7960  }
0x87: {  	_ =	swait.ge [sflag:s6], $0x186A0  }
0x88: {  	[sflag:s6] =	ssyncset.done $0x0  }
0x89: {  	[sflag:s6] =	ssyncadd.s32 $0xFFFE7960  }
0x8a: {  	_ =	swait.ge [sflag:s6], $0x186A0  }
0x8b: {  	[sflag:s6] =	ssyncset.done $0x0  }
0x8c: {  	[sflag:s6] =	ssyncadd.s32 $0xFFFE7960  }
0x8d: {  	_ =	swait.ge [sflag:s6], $0x186A0  }
0x8e: {  	[sflag:s6] =	ssyncset.done $0x0  }
0x8f: {  	[sflag:s6] =	ssyncadd.s32 $0xFFFE7960  }
0x90: {  	_ =	swait.ge [sflag:s6], $0x186A0  }
0x91: {  	[sflag:s6] =	ssyncset.done $0x0  }
0x92: {  	[sflag:s6] =	ssyncadd.s32 $0xFFFE7960  }
0x93: {  	_ =	swait.ge [sflag:s6], $0x186A0  }
0x94: {  	[sflag:s6] =	ssyncset.done $0x0  }
0x95: {  	[sflag:s6] =	ssyncadd.s32 $0xFFFE7960  }
0x96: {  	_ =	swait.ge [sflag:s6], $0x186A0  }
0x97: {  	[sflag:s6] =	ssyncset.done $0x0  }
0x98: {  	[sflag:s6] =	ssyncadd.s32 $0xFFFE7960  }
0x99: {  	_ =	swait.ge [sflag:s6], $0x186A0  }
0x9a: {  	[sflag:s6] =	ssyncset.done $0x0  }
0x9b: {  	[sflag:s6] =	ssyncadd.s32 $0xFFFE7960  }
0x9c: {  	_ =	swait.ge [sflag:s6], $0x186A0  }
0x9d: {  	[sflag:s6] =	ssyncset.done $0x0  }
0x9e: {  	[sflag:s6] =	ssyncadd.s32 $0xFFFE7960  }
0x9f: {  	_ =	swait.ge [sflag:s6], $0x186A0  }
0xa0: {  	[sflag:s6] =	ssyncset.done $0x0  }
0xa1: {  	[sflag:s6] =	ssyncadd.s32 $0xFFFE7960  }
0xa2: {  	_ =	swait.ge [sflag:s6], $0x186A0  }
0xa3: {  	[sflag:s6] =	ssyncset.done $0x0  }
0xa4: {  	[sflag:s6] =	ssyncadd.s32 $0xFFFE7960  }
0xa5: {  	_ =	swait.ge [sflag:s6], $0x186A0  }
0xa6: {  	[sflag:s6] =	ssyncset.done $0x0  }
0xa7: {  	[sflag:s6] =	ssyncadd.s32 $0xFFFE7960  }
0xa8: {  	_ =	swait.ge [sflag:s6], $0x186A0  }
0xa9: {  	[sflag:s6] =	ssyncset.done $0x0  }
0xaa: {  	[sflag:s6] =	ssyncadd.s32 $0xFFFE7960  }
0xab: {  	_ =	swait.ge [sflag:s6], $0x186A0  }
0xac: {  	[sflag:s6] =	ssyncset.done $0x0  }
0xad: {  	[sflag:s6] =	ssyncadd.s32 $0xFFFE7960  }
0xae: {  	_ =	swait.ge [sflag:s6], $0x186A0  }
0xaf: {  	[sflag:s6] =	ssyncset.done $0x0  }
0xb0: {  	[sflag:s6] =	ssyncadd.s32 $0xFFFE7960  }
0xb1: {  	_ =	swait.ge [sflag:s6], $0x186A0  }
0xb2: {  	[sflag:s6] =	ssyncset.done $0x0  }
0xb3: {  	s7 =	sadd.s32 $0x1, s7;
	[sflag:s6] =	ssyncadd.s32 $0xFFFE7960  }
0xb4: {  	p0 =	sne.s32 s7, s5;
	_ =	swait.ge [sflag:s6], $0x186A0  }
.Ltmp1:
0xb5: {  	[sflag:s6] =	ssyncset.done $0x0;
	(pc) =	sbr.rel @p0 .LBB2_1-.Ltmp1, $4  }
0xb6: {  	[sflag:s6] =	ssyncadd.s32 $0xFFFE7960  }
0xb7: {  	_ =	swait.ge [sflag:s6], $0x186A0  }
0xb8: {  	[sflag:s6] =	ssyncset.done $0x0  }
0xb9: {  	[sflag:s6] =	ssyncadd.s32 $0xFFFE7960  }
0xba: {  	_ =	sfence.sel $0x180000  }
0xbb: {  	[bflag:$0x0] =	sbarrier.arrive $0xFFFF  }
0xbc: {  	_ =	strace $0x90000047  }
0xbd: {  	s0 =	stileid.u32;
	[bflag:$0x2] =	sbarrier.arrive $0xFFFF  }
0xbe: {  	p0 =	sne.s32 s0, $0x0;
	s0 =	rddreg [dreg:$0x1]  }
0xbf: {  	s0 =	sadd.s32 @!p0 $0x100000, s0  }
0xc0: {  	[sflag:s0] =	ssyncadd.tile.s32 @!p0 $0x1;
	_ =	shalt  }
.Lfunc_end2:
_tile_overlayer_lowered:
.L_overlay_start_2:
0xc1: {  	(tag) =	ssettag $0x2  }
0xc2: {  	s0 =	rddreg [dreg:$0x0];
	s2 =	stileid.u32  }
0xc3: {  	s1 =	rddreg [dreg:$0x1];
	p0 =	sne.s32 s2, $0x0  }
0xc4: {  	s3 =	rddreg [dreg:$0x2];
	[bflag:$0x3] =	sbarrier.arrive $0xFFFF;
	s2 =	simm.s32 @!p0 $0x1C02  }
0xc5: {  	[timem:s3], [sflag:s2] =	dma.local @!p0 [hbm:s0], s1  }
0xc6: {  	s0 =	simm.s32 @!p0 $0x2  }
0xc7: {  	_ =	swait.ge @!p0 [sflag:s0], s1  }
0xc8: {  	s1 =	ssub.s32 @!p0 $0x0, s1;
	[sflag:s0] =	ssyncset.done @!p0 $0x0  }
0xc9: {  	[sflag:s0] =	ssyncadd.s32 @!p0 s1  }
0xca: {  	[bflag:$0x3] =	sbarrier.arrive $0xFFFF  }
0xcb: {  	_ =	shalt  }

// kernel: kernel.9.cloned.1.call-start
scs
__scs_entry_jumppad:
0x0: {  	(pc) =	sbr.rel $0x88, $3  }
0x1: {  	(tag) =	ssettag $0x0;
	lr =	simm.s32 $0x1  }
0x2: {  	[smem:$0x3F9C] =	sst lr;
	_ =	strace $0xD0000000  }
0x3: {  	_ = 	snop  }
0x4: {  	_ = 	snop  }
0x5: {  	_ = 	snop  }
0x6: {  	_ = 	snop  }
0x7: {  	_ = 	snop  }
__scs_overlays_trampoline_lowered:
0x8: {  	[smem:$0x3FAB] =	sst s0  }
0x9: {  	[smem:$0x3FAC] =	sst s1  }
0xa: {  	[smem:$0x3FAD] =	sst s2  }
0xb: {  	[smem:$0x3FAE] =	sst s3  }
0xc: {  	[smem:$0x3FAF] =	sst s4  }
0xd: {  	[smem:$0x3FB0] =	sst s5  }
0xe: {  	[smem:$0x3FB1] =	sst s6  }
0xf: {  	[smem:$0x3FB2] =	sst s7  }
0x10: {  	[smem:$0x3FB3] =	sst s8  }
0x11: {  	[smem:$0x3FB4] =	sst s9;
	s0 =	simm.s32 @!p0 $0x0  }
0x12: {  	s1 =	sld [smem:$0x3F9A];
	s0 =	simm.s32 @p0 $0x1  }
0x13: {  	[smem:$0x3FB5] =	sst s0;
	s0 =	simm.s32 @!p1 $0x0  }
0x14: {  	s2 =	sld [smem:$0x3F99];
	s0 =	simm.s32 @p1 $0x1  }
0x15: {  	[smem:$0x3FB6] =	sst s0;
	s0 =	simm.s32 @!p2 $0x0  }
0x16: {  	s3 =	sld [smem:$0x3FDB];
	s0 =	simm.s32 @p2 $0x1  }
0x17: {  	s4 =	simm.s32 $0x1BF5;
	[smem:$0x3FB8] =	sst s0  }
0x18: {  	s0 =	sld [smem:$0x3F9B];
	_ =	swait.ge [sflag:s4], $0x0  }
0x19: {  	s7 =	sld [smem:$0x3F9C]  }
0x1a: {  	s8 =	sadd.s32 $0xFFFFE003, lr  }
0x1b: {  	s9 =	sadd.s32 $0xFFFFFEF7, lr;
	s5 =	simm.s32 $0xFFFFFFFF;
	p2 =	slt.u32 s8, $0xFFFFF086  }
0x1c: {  	p1 =	slt.u32 s9, $0xF7A;
	s5 =	simm.s32 @!p2 $0x0  }
0x1d: {  	s5 =	simm.s32 @p1 $0x1;
	p0 =	seq.s32 s7, s2  }
0x1e: {  	s7 =	smul.u32 @!p0 $0xF7A, s2;
	p2 =	seq.s32 @!p0 s5, $0x0  }
0x1f: {  	s9 =	smul.u32 $0xF7A, s1;
	s8 =	simm.s32 @!p0 $0x1BF5;
	p2 =	por !p2, p0  }
0x20: {  	[sflag:s8] =	ssyncset.s32 @!p0 $0xFFFFF086;
	s6 =	sadd.s32 @!p0 s3, s7;
	s7 =	simm.s32 @!p0 $0x108  }
0x21: {  	s3 =	sadd.s32 s3, s9;
	s6 =	sadd.s32 @!p0 $0x88, s6;
	s7 =	simm.s32 @p2 $0x1082  }
0x22: {  	[simem:s7], [sflag:s8] =	dma.local @!p0 [hbm:s6], $0xF7A  }
0x23: {  	s9 =	sor.u32 $0xD0000000, s2;
	s6 =	simm.s32 $0x108;
	_ =	swait.ge @!p0 [sflag:s8], $0x0  }
0x24: {  	s3 =	sadd.s32 $0x88, s3;
	s6 =	simm.s32 @!p1 $0x1082;
	[sflag:s4] =	ssyncset.s32 $0xFFFFF086  }
0x25: {  	[simem:s6], [sflag:s4] =	dma.local [hbm:s3], $0xF7A  }
0x26: {  	[smem:$0x3F9C] =	sst s1;
	(tag) =	ssettag s2;
	_ =	strace s9  }
0x27: {  	s1 =	sld [smem:$0x3FAC]  }
0x28: {  	s2 =	sld [smem:$0x3FAD]  }
0x29: {  	s4 =	sld [smem:$0x3FAF]  }
0x2a: {  	p0 =	seq.s32 s5, $0x0;
	s5 =	sld [smem:$0x3FB0]  }
0x2b: {  	s6 =	sld [smem:$0x3FB1]  }
0x2c: {  	s7 =	sld [smem:$0x3FB2]  }
0x2d: {  	s3 =	simm.s32 $0x108;
	s8 =	sld [smem:$0x3FB3]  }
0x2e: {  	s3 =	simm.s32 @!p0 $0x1082;
	s9 =	sld [smem:$0x3FB4]  }
0x2f: {  	lr =	sadd.s32 s0, s3;
	s0 =	sld [smem:$0x3FAB]  }
0x30: {  	s3 =	sld [smem:$0x3FAE]  }
0x31: {  	[smem:$0x3FB7] =	sst s10  }
0x32: {  	s10 =	sld [smem:$0x3FB5];
	_ =	sdelay $0x3  }
0x33: {  	p0 =	seq.s32 s10, $0x1;
	s10 =	sld [smem:$0x3FB7];
	_ =	sdelay $0x3  }
0x34: {  	[smem:$0x3FB7] =	sst s10  }
0x35: {  	s10 =	sld [smem:$0x3FB6];
	_ =	sdelay $0x3  }
0x36: {  	p1 =	seq.s32 s10, $0x1;
	s10 =	sld [smem:$0x3FB7];
	_ =	sdelay $0x3  }
0x37: {  	[smem:$0x3FB7] =	sst s10  }
0x38: {  	s10 =	sld [smem:$0x3FB8]  }
0x39: {  	_ = 	snop;
	(pc) =	sbr.ind lr, $3  }
0x3a: {  	_ = 	snop  }
0x3b: {  	_ = 	snop  }
0x3c: {  	p2 =	seq.s32 s10, $0x1;
	s10 =	sld [smem:$0x3FB7]  }
0x3d: {  	_ =	shalt  }
0x3e: {  	_ =	shalt  }
0x3f: {  	_ =	shalt  }
0x40: {  	_ =	shalt  }
0x41: {  	_ =	shalt  }
0x42: {  	_ =	shalt  }
0x43: {  	_ =	shalt  }
0x44: {  	_ =	shalt  }
0x45: {  	_ =	shalt  }
0x46: {  	_ =	shalt  }
0x47: {  	_ =	shalt  }
0x48: {  	_ =	shalt  }
0x49: {  	_ =	shalt  }
0x4a: {  	_ =	shalt  }
0x4b: {  	_ =	shalt  }
0x4c: {  	_ =	shalt  }
0x4d: {  	_ =	shalt  }
0x4e: {  	_ =	shalt  }
0x4f: {  	_ =	shalt  }
0x50: {  	_ =	shalt  }
0x51: {  	_ =	shalt  }
0x52: {  	_ =	shalt  }
0x53: {  	_ =	shalt  }
0x54: {  	_ =	shalt  }
0x55: {  	_ =	shalt  }
0x56: {  	_ =	shalt  }
0x57: {  	_ =	shalt  }
0x58: {  	_ =	shalt  }
0x59: {  	_ =	shalt  }
0x5a: {  	_ =	shalt  }
0x5b: {  	_ =	shalt  }
0x5c: {  	_ =	shalt  }
0x5d: {  	_ =	shalt  }
0x5e: {  	_ =	shalt  }
0x5f: {  	_ =	shalt  }
0x60: {  	_ =	shalt  }
0x61: {  	_ =	shalt  }
0x62: {  	_ =	shalt  }
0x63: {  	_ =	shalt  }
0x64: {  	_ =	shalt  }
0x65: {  	_ =	shalt  }
0x66: {  	_ =	shalt  }
0x67: {  	_ =	shalt  }
0x68: {  	_ =	shalt  }
0x69: {  	_ =	shalt  }
0x6a: {  	_ =	shalt  }
0x6b: {  	_ =	shalt  }
0x6c: {  	_ =	shalt  }
0x6d: {  	_ =	shalt  }
0x6e: {  	_ =	shalt  }
0x6f: {  	_ =	shalt  }
0x70: {  	_ =	shalt  }
0x71: {  	_ =	shalt  }
0x72: {  	_ =	shalt  }
0x73: {  	_ =	shalt  }
0x74: {  	_ =	shalt  }
0x75: {  	_ =	shalt  }
0x76: {  	_ =	shalt  }
0x77: {  	_ =	shalt  }
0x78: {  	_ =	shalt  }
0x79: {  	_ =	shalt  }
0x7a: {  	_ =	shalt  }
0x7b: {  	_ =	shalt  }
0x7c: {  	_ =	shalt  }
0x7d: {  	_ =	shalt  }
0x7e: {  	_ =	shalt  }
0x7f: {  	_ =	shalt  }
0x80: {  	_ =	shalt  }
0x81: {  	_ =	shalt  }
0x82: {  	_ =	shalt  }
0x83: {  	_ =	shalt  }
0x84: {  	_ =	shalt  }
0x85: {  	_ =	shalt  }
0x86: {  	_ =	shalt  }
0x87: {  	_ =	shalt  }
.Lfunc_end0:
.L_simem_size_0:
called_computation.1_lowered:
.L_overlay_start_0:
0x88: {  	s2 =	sld [smem:$0x3FD9]  }
0x89: {  	s3 =	sld [smem:$0x3FFE];
	_ =	sdelay $0x1  }
0x8a: {  	s1 =	srdreg.scid  }
0x8b: {  	s0 =	sand.u32 $0x1, s1  }
0x8c: {  	s17 =	sshll.u32 s0, $0xA;
	s2 =	sadd.s32 s3, s2  }
0x8d: {  	s2 =	sadd.s32 s2, s17  }
0x8e: {  	[smem:$0x3FC3] =	sst s2  }
0x8f: {  	_ = 	snop  }
0x90: {  	s2 =	sld [smem:$0x3FD0];
	(tm) =	ssettm $0x1  }
0x91: {  	s18 =	sld [smem:$0x3FFB];
	_ =	sdelay $0x3  }
0x92: {  	_ =	strace s18  }
0x93: {  	s3 =	sld [smem:$0x3FFC];
	_ =	sdelay $0x3  }
0x94: {  	_ =	strace s3  }
0x95: {  	s3 =	sld [smem:$0x3FFD];
	_ =	sdelay $0x3  }
0x96: {  	_ =	strace s3  }
0x97: {  	_ =	strace $0x8FFFFFFF  }
0x98: {  	s19 =	sld [smem:$0x3FDB];
	_ =	sdelay $0x1  }
0x99: {  	s4 =	simm.s32 $_scs_section_size  }
0x9a: {  	s5 =	simm.s32 $_size__tile_overlayer_lowered;
	s6 =	simm.s32 $_tile_overlayer_lowered  }
0x9b: {  	s22 =	simm.s32 $0x1BFF;
	s21 =	sshll.u32 s6, $0x1;
	s3 =	sadd.s32 s4, s19  }
0x9c: {  	s7 =	simm.s32 $0x0;
	s20 =	sshll.u32 s5, $0x1;
	s5 =	sadd.s32 s21, s3  }
0x9d: {  	[timem:s7], [sflag:s22] =	dma.local [hbm:s5], s20  }
0x9e: {  	_ =	swait.ge [sflag:s22], s20  }
0x9f: {  	s4 =	ssub.s32 $0x0, s20;
	[sflag:s22] =	ssyncset.done $0x0  }
0xa0: {  	[sflag:s22] =	ssyncadd.s32 s4;
	_ =	sdelay $0x1  }
0xa1: {  	s23 =	simm.s32 $0x1B8B  }
0xa2: {  	_ =	swait.ge [sflag:s23], $0x1  }
0xa3: {  	[sflag:s23] =	ssyncset.done $0x0  }
0xa4: {  	s25 =	simm.s32 $0x1B8E;
	s24 =	sld [smem:$0x3FFE];
	[sflag:s23] =	ssyncadd.s32 $0xFFFFFFFF  }
0xa5: {  	s26 =	simm.s32 $execute0_lowered;
	[smem:$0x3FD2] =	sst s25  }
0xa6: {  	s5 =	sshll.u32 s26, $0x1;
	_ =	strace $0x80000049;
	[dreg:$0x1] =	wrdreg $0xFFFFFFFF  }
0xa7: {  	s28 =	simm.s32 $_size_execute0_lowered;
	s3 =	sadd.s32 s3, s5;
	[dreg:$0x0] =	wrdreg $0x0  }
0xa8: {  	s5 =	sshll.u32 s28, $0x1;
	[dreg:$0x2] =	wrdreg s3  }
0xa9: {  	[dreg:$0x3] =	wrdreg s5  }
0xaa: {  	[dreg:$0x4] =	wrdreg $0xC0  }
0xab: {  	_ =	task [dreg:s7], $0x5FFFF  }
0xac: {  	[dreg:$0x1] =	wrdreg $0xFFFFFFFF  }
0xad: {  	[dreg:$0x0] =	wrdreg $0x60  }
0xae: {  	[dreg:$0x2] =	wrdreg s2  }
0xaf: {  	[dreg:$0x3] =	wrdreg s24  }
0xb0: {  	[dreg:$0x4] =	wrdreg $0x9  }
0xb1: {  	_ =	task.clear_ibuf [dreg:s7], $0x5FFFF;
	_ =	strace $0x90000049  }
0xb2: {  	s29 =	simm.s32 $0x9;
	_ =	strace $0x8000004B  }
0xb3: {  	_ =	swait.ge [sflag:s29], $0x1  }
0xb4: {  	[sflag:s29] =	ssyncadd.s32 $0xFFFFFFFF  }
0xb5: {  	_ =	strace $0x9000004B  }
0xb6: {  	_ =	sfence  }
0xb7: {  	s30 =	sld [smem:$0x0];
	_ =	sdelay $0x2  }
0xb8: {  	s31 =	sshll.u32 s1, $0xD;
	s1 =	sshrl.u32 s1, $0x2  }
0xb9: {  	s3 =	sand.u32 $0x4000, s31;
	s1 =	sadd.s32 s1, s30  }
0xba: {  	s0 =	sor.u32 s3, s0;
	s1 =	sshll.u32 s1, $0x11  }
0xbb: {  	s0 =	sor.u32 s1, s0  }
0xbc: {  	s0 =	sadd.s32 $0x8F2B, s0  }
0xbd: {  	[sflag:s0] =	ssyncadd.remote.s32 $0x1  }
0xbe: {  	_ =	sfence.sel $0xFFFF  }
0xbf: {  	[dreg:$0x0] =	wrdreg $0xFFFFFFFF;
	(pc) =	sbr.abs _section_cstart, $3  }
0xc0: {  	[dreg:$0x1] =	wrdreg $0xFFFFFFFF  }
0xc1: {  	_ =	task.clear_ibuf [dreg:s7], $0x2FFFF;
	_ =	strace $0x9FFFFFFF  }
0xc2: {  	(tm) =	ssettm $0x7FFFFFFF  }
0xc3: {  	_ =	shalt  }
tec
execute0_lowered:
.L_overlay_start_1:
0x0: {  	(tag) =	ssettag $0x1  }
0x1: {  	s0 =	rddreg [dreg:$0x0]  }
0x2: {  	s2 =	rddreg [dreg:$0x1];
	s3 =	srdreg.scid  }
0x3: {  	s7 =	rddreg [dreg:$0x2];
	s8 =	stileid.u32  }
0x4: {  	s4 =	simm.s32 $0x0;
	s20 =	simm.s32 $0x880;
	s22 =	simm.s32 $0x100  }
0x5: {  	s23 =	simm.s32 $0x900;
	s24 =	simm.s32 $0x180;
	s25 =	simm.s32 $0x980  }
0x6: {  	s16 =	simm.s32 $0x2;
	s26 =	simm.s32 $0x200;
	s9 =	simm.s32 $0x300  }
0x7: {  	s10 =	simm.s32 $0xB00;
	s11 =	simm.s32 $0x380;
	s12 =	simm.s32 $0xB80  }
0x8: {  	s13 =	simm.s32 $0x400;
	s14 =	simm.s32 $0xC00;
	s15 =	simm.s32 $0x480  }
0x9: {  	s17 =	simm.s32 $0xC80;
	p0 =	por $0x0, $0x0;
	s28 =	simm.s32 $0x700  }
0xa: {  	s29 =	simm.s32 $0xF00;
	s30 =	simm.s32 $0x780;
	[smem:$0x7FF] =	sst s4  }
0xb: {  	s5 =	sand.u32 $0x1, s3;
	_ =	strace $0x8000004A;
	[dreg:$0x5] =	wrdreg s20  }
0xc: {  	s18 =	sshll.u32 s8, $0x9;
	s6 =	sshll.u32 s5, $0x8;
	[dreg:$0x6] =	wrdreg s22  }
0xd: {  	s21 =	ssub.s32 $0x2, s5;
	[dreg:$0x7] =	wrdreg s23;
	s3 =	sor.u32 s6, s18  }
0xe: {  	[dreg:$0x8] =	wrdreg s24;
	s5 =	sshrl.u32 s21, $0x1;
	s6 =	sadd.s32 s3, s2  }
0xf: {  	s0 =	sadd.s32 s0, s3;
	s3 =	sadd.s32 $0x1000, s2;
	s2 =	ssub.s32 s21, s5  }
0x10: {  	s31 =	simm.s32 $0xF80;
	[dreg:$0x9] =	wrdreg s25;
	s2 =	smax.u32 s2, $0x1  }
0x11: {  	[dreg:$0xa] =	wrdreg s26;
	s20 =	simm.s32 $0xD00;
	p1 =	sne.s32 s2, $0x1  }
.Ltmp0:
0x12: {  	s22 =	simm.s32 $0xD80;
	s23 =	simm.s32 $0x600;
	(pc) =	sbr.rel @!p1 .LBB2_5-.Ltmp0, $4  }
0x13: {  	s24 =	simm.s32 $0xE00;
	s25 =	simm.s32 $0x680;
	s26 =	simm.s32 $0xE80  }
0x14: {  	s18 =	simm.s32 $0x500;
	[dreg:$0x3] =	wrdreg s0;
	s19 =	sadd.s32 $0xC36000, s6  }
0x15: {  	s5 =	simm.s32 $0x80;
	s21 =	simm.s32 $0x580;
	[dreg:$0x4] =	wrdreg s19  }
0x16: {  	s19 =	simm.s32 $0x800;
	s0 =	sadd.s32 $0xFFFFFFFF, s2;
	s2 =	simm.s32 $0x1  }
0x17: {  	s1 =	rddreg [dreg:$0x3]  }
0x18: {  	[tilespmem:s4], [sflag:$0x2] =	stream.linear.gather [hbm4b:s1+s4], $0x800, $0x38;
	[tilespmem:$0x1000] =	vst v63  }
0x19: {  	_ =	swait.ge [sflag:s16], $0x800  }
0x1a: {  	[sflag:s16] =	ssyncset.done $0x0  }
0x1b: {  	s7 =	rddreg [dreg:$0x4];
	[sflag:s16] =	ssyncadd.s32 $0xFFFFF800  }
0x1c: {  	[tilespmem:s19], [sflag:$0x2] =	stream.linear.gather [hbm4b:s7+s4], $0x800, $0x38;
	[tilespmem:$0x1000] =	vst v63  }
0x1d: {  	_ =	swait.ge [sflag:s16], $0x800  }
0x1e: {  	s8 =	rddreg [dreg:$0x6]  }
0x1f: {  	s7 =	smov.u32 s0;
	s0 =	rddreg [dreg:$0x5]  }
0x20: {  	[sflag:s16] =	ssyncset.done $0x0;
	s1 =	rddreg [dreg:$0x7]  }
0x21: {  	s6 =	rddreg [dreg:$0x9];
	[sflag:s16] =	ssyncadd.s32 $0xFFFFF800  }
0x22: {  	[hbm4b:s3+s5] =	stream.indirect.scatter [tilespmem:s19], [sflag:$0x1], $0x1, s4, s5, $0xb8;
	[tilespmem:$0x1000] =	vst v63  }
0x23: {  	[dreg:$0xb] =	wrdreg s6  }
0x24: {  	[hbm4b:s3+s5] =	stream.indirect.scatter [tilespmem:s0], [sflag:$0x1], $0x1, s5, s5, $0xb8;
	[tilespmem:$0x1000] =	vst v63  }
0x25: {  	s6 =	rddreg [dreg:$0xb]  }
0x26: {  	[hbm4b:s3+s5] =	stream.indirect.scatter [tilespmem:s1], [sflag:$0x1], $0x1, s8, s5, $0xb8;
	[tilespmem:$0x1000] =	vst v63  }
0x27: {  	s0 =	rddreg [dreg:$0x8]  }
0x28: {  	[hbm4b:s3+s5] =	stream.indirect.scatter [tilespmem:s6], [sflag:$0x1], $0x1, s0, s5, $0xb8;
	[tilespmem:$0x1000] =	vst v63  }
0x29: {  	s1 =	rddreg [dreg:$0xa];
	s8 =	simm.s32 $0xA00  }
0x2a: {  	[hbm4b:s3+s5] =	stream.indirect.scatter [tilespmem:s8], [sflag:$0x1], $0x1, s1, s5, $0xb8;
	[tilespmem:$0x1000] =	vst v63  }
0x2b: {  	s6 =	simm.s32 $0x280;
	s8 =	simm.s32 $0xA80  }
0x2c: {  	[hbm4b:s3+s5] =	stream.indirect.scatter [tilespmem:s8], [sflag:$0x1], $0x1, s6, s5, $0xb8;
	[tilespmem:$0x1000] =	vst v63  }
0x2d: {  	_ = 	snop  }
0x2e: {  	[hbm4b:s3+s5] =	stream.indirect.scatter [tilespmem:s10], [sflag:$0x1], $0x1, s9, s5, $0xb8;
	[tilespmem:$0x1000] =	vst v63  }
0x2f: {  	_ = 	snop  }
0x30: {  	[hbm4b:s3+s5] =	stream.indirect.scatter [tilespmem:s12], [sflag:$0x1], $0x1, s11, s5, $0xb8;
	[tilespmem:$0x1000] =	vst v63  }
0x31: {  	_ = 	snop  }
0x32: {  	[hbm4b:s3+s5] =	stream.indirect.scatter [tilespmem:s14], [sflag:$0x1], $0x1, s13, s5, $0xb8;
	[tilespmem:$0x1000] =	vst v63  }
0x33: {  	_ = 	snop  }
0x34: {  	[hbm4b:s3+s5] =	stream.indirect.scatter [tilespmem:s17], [sflag:$0x1], $0x1, s15, s5, $0xb8;
	[tilespmem:$0x1000] =	vst v63  }
0x35: {  	_ = 	snop  }
0x36: {  	[hbm4b:s3+s5] =	stream.indirect.scatter [tilespmem:s20], [sflag:$0x1], $0x1, s18, s5, $0xb8;
	[tilespmem:$0x1000] =	vst v63  }
0x37: {  	_ = 	snop  }
0x38: {  	[hbm4b:s3+s5] =	stream.indirect.scatter [tilespmem:s22], [sflag:$0x1], $0x1, s21, s5, $0xb8;
	[tilespmem:$0x1000] =	vst v63  }
0x39: {  	_ = 	snop  }
0x3a: {  	[hbm4b:s3+s5] =	stream.indirect.scatter [tilespmem:s24], [sflag:$0x1], $0x1, s23, s5, $0xb8;
	[tilespmem:$0x1000] =	vst v63  }
0x3b: {  	_ = 	snop  }
0x3c: {  	[hbm4b:s3+s5] =	stream.indirect.scatter [tilespmem:s26], [sflag:$0x1], $0x1, s25, s5, $0xb8;
	[tilespmem:$0x1000] =	vst v63  }
0x3d: {  	_ = 	snop  }
0x3e: {  	[hbm4b:s3+s5] =	stream.indirect.scatter [tilespmem:s29], [sflag:$0x1], $0x1, s28, s5, $0xb8;
	[tilespmem:$0x1000] =	vst v63  }
0x3f: {  	_ = 	snop  }
0x40: {  	[hbm4b:s3+s5] =	stream.indirect.scatter [tilespmem:s31], [sflag:$0x1], $0x1, s30, s5, $0xb8;
	[tilespmem:$0x1000] =	vst v63  }
0x41: {  	_ =	swait.ge [sflag:s2], $0x80  }
0x42: {  	[sflag:s2] =	ssyncset.done $0x0  }
0x43: {  	[sflag:s2] =	ssyncadd.s32 $0xFFFFFF80  }
0x44: {  	_ =	swait.ge [sflag:s2], $0x80  }
0x45: {  	[sflag:s2] =	ssyncset.done $0x0  }
0x46: {  	[sflag:s2] =	ssyncadd.s32 $0xFFFFFF80  }
0x47: {  	_ =	swait.ge [sflag:s2], $0x80  }
0x48: {  	[sflag:s2] =	ssyncset.done $0x0  }
0x49: {  	[sflag:s2] =	ssyncadd.s32 $0xFFFFFF80  }
0x4a: {  	_ =	swait.ge [sflag:s2], $0x80  }
0x4b: {  	[sflag:s2] =	ssyncset.done $0x0  }
0x4c: {  	[sflag:s2] =	ssyncadd.s32 $0xFFFFFF80  }
0x4d: {  	_ =	swait.ge [sflag:s2], $0x80  }
0x4e: {  	[sflag:s2] =	ssyncset.done $0x0  }
0x4f: {  	[sflag:s2] =	ssyncadd.s32 $0xFFFFFF80  }
0x50: {  	_ =	swait.ge [sflag:s2], $0x80  }
0x51: {  	[sflag:s2] =	ssyncset.done $0x0  }
0x52: {  	[sflag:s2] =	ssyncadd.s32 $0xFFFFFF80  }
0x53: {  	_ =	swait.ge [sflag:s2], $0x80  }
0x54: {  	[sflag:s2] =	ssyncset.done $0x0  }
0x55: {  	[sflag:s2] =	ssyncadd.s32 $0xFFFFFF80  }
0x56: {  	_ =	swait.ge [sflag:s2], $0x80  }
0x57: {  	[sflag:s2] =	ssyncset.done $0x0  }
0x58: {  	[sflag:s2] =	ssyncadd.s32 $0xFFFFFF80  }
0x59: {  	_ =	swait.ge [sflag:s2], $0x80  }
0x5a: {  	[sflag:s2] =	ssyncset.done $0x0  }
0x5b: {  	[sflag:s2] =	ssyncadd.s32 $0xFFFFFF80  }
0x5c: {  	_ =	swait.ge [sflag:s2], $0x80  }
0x5d: {  	[sflag:s2] =	ssyncset.done $0x0  }
0x5e: {  	[sflag:s2] =	ssyncadd.s32 $0xFFFFFF80  }
0x5f: {  	_ =	swait.ge [sflag:s2], $0x80  }
0x60: {  	[sflag:s2] =	ssyncset.done $0x0  }
0x61: {  	[sflag:s2] =	ssyncadd.s32 $0xFFFFFF80  }
0x62: {  	_ =	swait.ge [sflag:s2], $0x80  }
0x63: {  	[sflag:s2] =	ssyncset.done $0x0  }
0x64: {  	[sflag:s2] =	ssyncadd.s32 $0xFFFFFF80  }
0x65: {  	_ =	swait.ge [sflag:s2], $0x80  }
0x66: {  	[sflag:s2] =	ssyncset.done $0x0  }
0x67: {  	[sflag:s2] =	ssyncadd.s32 $0xFFFFFF80  }
0x68: {  	p1 =	sne.s32 s7, $0x1;
	_ =	swait.ge [sflag:s2], $0x80  }
.Ltmp1:
0x69: {  	[sflag:s2] =	ssyncset.done $0x0;
	(pc) =	sbr.rel @!p1 .LBB2_2-.Ltmp1, $4  }
0x6a: {  	[sflag:s2] =	ssyncadd.s32 $0xFFFFFF80  }
0x6b: {  	_ =	swait.ge [sflag:s2], $0x80  }
0x6c: {  	[sflag:s2] =	ssyncset.done $0x0  }
0x6d: {  	p0 =	por $0x1, $0x1;
	s0 =	sadd.s32 $0xFFFFFFFF, s7;
	[sflag:s2] =	ssyncadd.s32 $0xFFFFFF80  }
.LBB2_3:
0x6e: {  	_ =	swait.ge [sflag:s2], $0x80  }
0x6f: {  	[sflag:s2] =	ssyncset.done $0x0  }
0x70: {  	s1 =	rddreg [dreg:$0x3];
	[sflag:s2] =	ssyncadd.s32 $0xFFFFFF80  }
0x71: {  	[tilespmem:s4], [sflag:$0x2] =	stream.linear.gather [hbm4b:s1+s4], $0x800, $0x38;
	[tilespmem:$0x1000] =	vst v63  }
0x72: {  	_ =	swait.ge [sflag:s16], $0x800  }
0x73: {  	[sflag:s16] =	ssyncset.done $0x0  }
0x74: {  	s6 =	rddreg [dreg:$0x4];
	[sflag:s16] =	ssyncadd.s32 $0xFFFFF800  }
0x75: {  	[tilespmem:s19], [sflag:$0x2] =	stream.linear.gather [hbm4b:s6+s4], $0x800, $0x38;
	[tilespmem:$0x1000] =	vst v63  }
0x76: {  	_ =	swait.ge [sflag:s16], $0x800  }
0x77: {  	s1 =	rddreg [dreg:$0x6];
	[sflag:s16] =	ssyncset.done $0x0  }
0x78: {  	s6 =	rddreg [dreg:$0x5];
	[sflag:s16] =	ssyncadd.s32 $0xFFFFF800  }
0x79: {  	[hbm4b:s3+s5] =	stream.indirect.scatter [tilespmem:s19], [sflag:$0x1], $0x1, s4, s5, $0xb8;
	[tilespmem:$0x1000] =	vst v63  }
0x7a: {  	s7 =	rddreg [dreg:$0x7]  }
0x7b: {  	[hbm4b:s3+s5] =	stream.indirect.scatter [tilespmem:s6], [sflag:$0x1], $0x1, s5, s5, $0xb8;
	[tilespmem:$0x1000] =	vst v63  }
0x7c: {  	s8 =	rddreg [dreg:$0x9]  }
0x7d: {  	[hbm4b:s3+s5] =	stream.indirect.scatter [tilespmem:s7], [sflag:$0x1], $0x1, s1, s5, $0xb8;
	[tilespmem:$0x1000] =	vst v63  }
0x7e: {  	s6 =	rddreg [dreg:$0x8]  }
0x7f: {  	[hbm4b:s3+s5] =	stream.indirect.scatter [tilespmem:s8], [sflag:$0x1], $0x1, s6, s5, $0xb8;
	[tilespmem:$0x1000] =	vst v63  }
0x80: {  	s7 =	rddreg [dreg:$0xa];
	s8 =	simm.s32 $0xA00  }
0x81: {  	[hbm4b:s3+s5] =	stream.indirect.scatter [tilespmem:s8], [sflag:$0x1], $0x1, s7, s5, $0xb8;
	[tilespmem:$0x1000] =	vst v63  }
0x82: {  	s7 =	simm.s32 $0x280;
	s8 =	simm.s32 $0xA80  }
0x83: {  	[hbm4b:s3+s5] =	stream.indirect.scatter [tilespmem:s8], [sflag:$0x1], $0x1, s7, s5, $0xb8;
	[tilespmem:$0x1000] =	vst v63  }
0x84: {  	_ = 	snop  }
0x85: {  	[hbm4b:s3+s5] =	stream.indirect.scatter [tilespmem:s10], [sflag:$0x1], $0x1, s9, s5, $0xb8;
	[tilespmem:$0x1000] =	vst v63  }
0x86: {  	_ = 	snop  }
0x87: {  	[hbm4b:s3+s5] =	stream.indirect.scatter [tilespmem:s12], [sflag:$0x1], $0x1, s11, s5, $0xb8;
	[tilespmem:$0x1000] =	vst v63  }
0x88: {  	_ = 	snop  }
0x89: {  	[hbm4b:s3+s5] =	stream.indirect.scatter [tilespmem:s14], [sflag:$0x1], $0x1, s13, s5, $0xb8;
	[tilespmem:$0x1000] =	vst v63  }
0x8a: {  	_ = 	snop  }
0x8b: {  	[hbm4b:s3+s5] =	stream.indirect.scatter [tilespmem:s17], [sflag:$0x1], $0x1, s15, s5, $0xb8;
	[tilespmem:$0x1000] =	vst v63  }
0x8c: {  	_ = 	snop  }
0x8d: {  	[hbm4b:s3+s5] =	stream.indirect.scatter [tilespmem:s20], [sflag:$0x1], $0x1, s18, s5, $0xb8;
	[tilespmem:$0x1000] =	vst v63  }
0x8e: {  	_ = 	snop  }
0x8f: {  	[hbm4b:s3+s5] =	stream.indirect.scatter [tilespmem:s22], [sflag:$0x1], $0x1, s21, s5, $0xb8;
	[tilespmem:$0x1000] =	vst v63  }
0x90: {  	_ = 	snop  }
0x91: {  	[hbm4b:s3+s5] =	stream.indirect.scatter [tilespmem:s24], [sflag:$0x1], $0x1, s23, s5, $0xb8;
	[tilespmem:$0x1000] =	vst v63  }
0x92: {  	_ = 	snop  }
0x93: {  	[hbm4b:s3+s5] =	stream.indirect.scatter [tilespmem:s26], [sflag:$0x1], $0x1, s25, s5, $0xb8;
	[tilespmem:$0x1000] =	vst v63  }
0x94: {  	_ = 	snop  }
0x95: {  	[hbm4b:s3+s5] =	stream.indirect.scatter [tilespmem:s29], [sflag:$0x1], $0x1, s28, s5, $0xb8;
	[tilespmem:$0x1000] =	vst v63  }
0x96: {  	_ = 	snop  }
0x97: {  	[hbm4b:s3+s5] =	stream.indirect.scatter [tilespmem:s31], [sflag:$0x1], $0x1, s30, s5, $0xb8;
	[tilespmem:$0x1000] =	vst v63  }
0x98: {  	_ =	swait.ge [sflag:s2], $0x80  }
0x99: {  	[sflag:s2] =	ssyncset.done $0x0  }
0x9a: {  	[sflag:s2] =	ssyncadd.s32 $0xFFFFFF80  }
0x9b: {  	_ =	swait.ge [sflag:s2], $0x80  }
0x9c: {  	[sflag:s2] =	ssyncset.done $0x0  }
0x9d: {  	[sflag:s2] =	ssyncadd.s32 $0xFFFFFF80  }
0x9e: {  	_ =	swait.ge [sflag:s2], $0x80  }
0x9f: {  	[sflag:s2] =	ssyncset.done $0x0  }
0xa0: {  	[sflag:s2] =	ssyncadd.s32 $0xFFFFFF80  }
0xa1: {  	_ =	swait.ge [sflag:s2], $0x80  }
0xa2: {  	[sflag:s2] =	ssyncset.done $0x0  }
0xa3: {  	[sflag:s2] =	ssyncadd.s32 $0xFFFFFF80  }
0xa4: {  	_ =	swait.ge [sflag:s2], $0x80  }
0xa5: {  	[sflag:s2] =	ssyncset.done $0x0  }
0xa6: {  	[sflag:s2] =	ssyncadd.s32 $0xFFFFFF80  }
0xa7: {  	_ =	swait.ge [sflag:s2], $0x80  }
0xa8: {  	[sflag:s2] =	ssyncset.done $0x0  }
0xa9: {  	[sflag:s2] =	ssyncadd.s32 $0xFFFFFF80  }
0xaa: {  	_ =	swait.ge [sflag:s2], $0x80  }
0xab: {  	[sflag:s2] =	ssyncset.done $0x0  }
0xac: {  	[sflag:s2] =	ssyncadd.s32 $0xFFFFFF80  }
0xad: {  	_ =	swait.ge [sflag:s2], $0x80  }
0xae: {  	[sflag:s2] =	ssyncset.done $0x0  }
0xaf: {  	[sflag:s2] =	ssyncadd.s32 $0xFFFFFF80  }
0xb0: {  	_ =	swait.ge [sflag:s2], $0x80  }
0xb1: {  	[sflag:s2] =	ssyncset.done $0x0  }
0xb2: {  	[sflag:s2] =	ssyncadd.s32 $0xFFFFFF80  }
0xb3: {  	_ =	swait.ge [sflag:s2], $0x80  }
0xb4: {  	[sflag:s2] =	ssyncset.done $0x0  }
0xb5: {  	[sflag:s2] =	ssyncadd.s32 $0xFFFFFF80  }
0xb6: {  	_ =	swait.ge [sflag:s2], $0x80  }
0xb7: {  	[sflag:s2] =	ssyncset.done $0x0  }
0xb8: {  	[sflag:s2] =	ssyncadd.s32 $0xFFFFFF80  }
0xb9: {  	_ =	swait.ge [sflag:s2], $0x80  }
0xba: {  	[sflag:s2] =	ssyncset.done $0x0  }
0xbb: {  	[sflag:s2] =	ssyncadd.s32 $0xFFFFFF80  }
0xbc: {  	_ =	swait.ge [sflag:s2], $0x80  }
0xbd: {  	[sflag:s2] =	ssyncset.done $0x0  }
0xbe: {  	[sflag:s2] =	ssyncadd.s32 $0xFFFFFF80  }
0xbf: {  	p1 =	sne.s32 s0, $0x1;
	_ =	swait.ge [sflag:s2], $0x80  }
.Ltmp2:
0xc0: {  	[sflag:s2] =	ssyncset.done $0x0;
	(pc) =	sbr.rel @p1 .LBB2_3-.Ltmp2, $4  }
0xc1: {  	[sflag:s2] =	ssyncadd.s32 $0xFFFFFF80  }
0xc2: {  	_ =	swait.ge [sflag:s2], $0x80  }
0xc3: {  	[sflag:s2] =	ssyncset.done $0x0  }
0xc4: {  	s0 =	sadd.s32 $0xFFFFFFFF, s0;
	[sflag:s2] =	ssyncadd.s32 $0xFFFFFF80  }
0xc5: {  	s7 =	rddreg [dreg:$0x2];
	s8 =	stileid.u32  }
.LBB2_5:
0xc6: {  	_ =	swait.ge @p0 [sflag:s2], $0x80  }
0xc7: {  	[sflag:s2] =	ssyncset.done @p0 $0x0  }
0xc8: {  	s0 =	rddreg [dreg:$0x3];
	[sflag:s2] =	ssyncadd.s32 @p0 $0xFFFFFF80  }
0xc9: {  	[tilespmem:s4], [sflag:$0x2] =	stream.linear.gather [hbm4b:s0+s4], $0x800, $0x38;
	[tilespmem:$0x1000] =	vst v63  }
0xca: {  	_ =	swait.ge [sflag:s16], $0x800  }
0xcb: {  	[sflag:s16] =	ssyncset.done $0x0  }
0xcc: {  	s6 =	rddreg [dreg:$0x4];
	[sflag:s16] =	ssyncadd.s32 $0xFFFFF800  }
0xcd: {  	[tilespmem:s19], [sflag:$0x2] =	stream.linear.gather [hbm4b:s6+s4], $0x800, $0x38;
	[tilespmem:$0x1000] =	vst v63  }
0xce: {  	_ =	swait.ge [sflag:s16], $0x800  }
0xcf: {  	[sflag:s16] =	ssyncset.done $0x0;
	s1 =	rddreg [dreg:$0x5]  }
0xd0: {  	s6 =	rddreg [dreg:$0x8];
	[sflag:s16] =	ssyncadd.s32 $0xFFFFF800  }
0xd1: {  	[hbm4b:s3+s5] =	stream.indirect.scatter [tilespmem:s19], [sflag:$0x1], $0x1, s4, s5, $0xb8;
	[tilespmem:$0x1000] =	vst v63  }
0xd2: {  	s4 =	rddreg [dreg:$0x6]  }
0xd3: {  	[hbm4b:s3+s5] =	stream.indirect.scatter [tilespmem:s1], [sflag:$0x1], $0x1, s5, s5, $0xb8;
	[tilespmem:$0x1000] =	vst v63  }
0xd4: {  	s1 =	rddreg [dreg:$0x7]  }
0xd5: {  	[hbm4b:s3+s5] =	stream.indirect.scatter [tilespmem:s1], [sflag:$0x1], $0x1, s4, s5, $0xb8;
	[tilespmem:$0x1000] =	vst v63  }
0xd6: {  	s16 =	rddreg [dreg:$0x9]  }
0xd7: {  	[hbm4b:s3+s5] =	stream.indirect.scatter [tilespmem:s16], [sflag:$0x1], $0x1, s6, s5, $0xb8;
	[tilespmem:$0x1000] =	vst v63  }
0xd8: {  	s19 =	simm.s32 $0xA00;
	s1 =	rddreg [dreg:$0xa]  }
0xd9: {  	[hbm4b:s3+s5] =	stream.indirect.scatter [tilespmem:s19], [sflag:$0x1], $0x1, s1, s5, $0xb8;
	[tilespmem:$0x1000] =	vst v63  }
0xda: {  	s16 =	simm.s32 $0x280;
	s19 =	simm.s32 $0xA80  }
0xdb: {  	[hbm4b:s3+s5] =	stream.indirect.scatter [tilespmem:s19], [sflag:$0x1], $0x1, s16, s5, $0xb8;
	[tilespmem:$0x1000] =	vst v63  }
0xdc: {  	_ = 	snop  }
0xdd: {  	[hbm4b:s3+s5] =	stream.indirect.scatter [tilespmem:s10], [sflag:$0x1], $0x1, s9, s5, $0xb8;
	[tilespmem:$0x1000] =	vst v63  }
0xde: {  	_ = 	snop  }
0xdf: {  	[hbm4b:s3+s5] =	stream.indirect.scatter [tilespmem:s12], [sflag:$0x1], $0x1, s11, s5, $0xb8;
	[tilespmem:$0x1000] =	vst v63  }
0xe0: {  	_ = 	snop  }
0xe1: {  	[hbm4b:s3+s5] =	stream.indirect.scatter [tilespmem:s14], [sflag:$0x1], $0x1, s13, s5, $0xb8;
	[tilespmem:$0x1000] =	vst v63  }
0xe2: {  	_ = 	snop  }
0xe3: {  	[hbm4b:s3+s5] =	stream.indirect.scatter [tilespmem:s17], [sflag:$0x1], $0x1, s15, s5, $0xb8;
	[tilespmem:$0x1000] =	vst v63  }
0xe4: {  	_ = 	snop  }
0xe5: {  	[hbm4b:s3+s5] =	stream.indirect.scatter [tilespmem:s20], [sflag:$0x1], $0x1, s18, s5, $0xb8;
	[tilespmem:$0x1000] =	vst v63  }
0xe6: {  	_ = 	snop  }
0xe7: {  	[hbm4b:s3+s5] =	stream.indirect.scatter [tilespmem:s22], [sflag:$0x1], $0x1, s21, s5, $0xb8;
	[tilespmem:$0x1000] =	vst v63  }
0xe8: {  	_ = 	snop  }
0xe9: {  	[hbm4b:s3+s5] =	stream.indirect.scatter [tilespmem:s24], [sflag:$0x1], $0x1, s23, s5, $0xb8;
	[tilespmem:$0x1000] =	vst v63  }
0xea: {  	_ = 	snop  }
0xeb: {  	[hbm4b:s3+s5] =	stream.indirect.scatter [tilespmem:s26], [sflag:$0x1], $0x1, s25, s5, $0xb8;
	[tilespmem:$0x1000] =	vst v63  }
0xec: {  	_ = 	snop  }
0xed: {  	[hbm4b:s3+s5] =	stream.indirect.scatter [tilespmem:s29], [sflag:$0x1], $0x1, s28, s5, $0xb8;
	[tilespmem:$0x1000] =	vst v63  }
0xee: {  	_ = 	snop  }
0xef: {  	[hbm4b:s3+s5] =	stream.indirect.scatter [tilespmem:s31], [sflag:$0x1], $0x1, s30, s5, $0xb8;
	[tilespmem:$0x1000] =	vst v63  }
0xf0: {  	_ =	swait.ge [sflag:s2], $0x80  }
0xf1: {  	[sflag:s2] =	ssyncset.done $0x0  }
0xf2: {  	[sflag:s2] =	ssyncadd.s32 $0xFFFFFF80  }
0xf3: {  	_ =	swait.ge [sflag:s2], $0x80  }
0xf4: {  	[sflag:s2] =	ssyncset.done $0x0  }
0xf5: {  	[sflag:s2] =	ssyncadd.s32 $0xFFFFFF80  }
0xf6: {  	_ =	swait.ge [sflag:s2], $0x80  }
0xf7: {  	[sflag:s2] =	ssyncset.done $0x0  }
0xf8: {  	[sflag:s2] =	ssyncadd.s32 $0xFFFFFF80  }
0xf9: {  	_ =	swait.ge [sflag:s2], $0x80  }
0xfa: {  	[sflag:s2] =	ssyncset.done $0x0  }
0xfb: {  	[sflag:s2] =	ssyncadd.s32 $0xFFFFFF80  }
0xfc: {  	_ =	swait.ge [sflag:s2], $0x80  }
0xfd: {  	[sflag:s2] =	ssyncset.done $0x0  }
0xfe: {  	[sflag:s2] =	ssyncadd.s32 $0xFFFFFF80  }
0xff: {  	_ =	swait.ge [sflag:s2], $0x80  }
0x100: {  	[sflag:s2] =	ssyncset.done $0x0  }
0x101: {  	[sflag:s2] =	ssyncadd.s32 $0xFFFFFF80  }
0x102: {  	_ =	swait.ge [sflag:s2], $0x80  }
0x103: {  	[sflag:s2] =	ssyncset.done $0x0  }
0x104: {  	[sflag:s2] =	ssyncadd.s32 $0xFFFFFF80  }
0x105: {  	_ =	swait.ge [sflag:s2], $0x80  }
0x106: {  	[sflag:s2] =	ssyncset.done $0x0  }
0x107: {  	[sflag:s2] =	ssyncadd.s32 $0xFFFFFF80  }
0x108: {  	_ =	swait.ge [sflag:s2], $0x80  }
0x109: {  	[sflag:s2] =	ssyncset.done $0x0  }
0x10a: {  	[sflag:s2] =	ssyncadd.s32 $0xFFFFFF80  }
0x10b: {  	_ =	swait.ge [sflag:s2], $0x80  }
0x10c: {  	[sflag:s2] =	ssyncset.done $0x0  }
0x10d: {  	[sflag:s2] =	ssyncadd.s32 $0xFFFFFF80  }
0x10e: {  	_ =	swait.ge [sflag:s2], $0x80  }
0x10f: {  	[sflag:s2] =	ssyncset.done $0x0  }
0x110: {  	[sflag:s2] =	ssyncadd.s32 $0xFFFFFF80  }
0x111: {  	_ =	swait.ge [sflag:s2], $0x80  }
0x112: {  	[sflag:s2] =	ssyncset.done $0x0  }
0x113: {  	[sflag:s2] =	ssyncadd.s32 $0xFFFFFF80  }
0x114: {  	_ =	swait.ge [sflag:s2], $0x80  }
0x115: {  	[sflag:s2] =	ssyncset.done $0x0  }
0x116: {  	[sflag:s2] =	ssyncadd.s32 $0xFFFFFF80  }
0x117: {  	_ =	swait.ge [sflag:s2], $0x80  }
0x118: {  	[sflag:s2] =	ssyncset.done $0x0  }
0x119: {  	[sflag:s2] =	ssyncadd.s32 $0xFFFFFF80  }
0x11a: {  	_ =	swait.ge [sflag:s2], $0x80  }
0x11b: {  	[sflag:s2] =	ssyncset.done $0x0  }
0x11c: {  	[sflag:s2] =	ssyncadd.s32 $0xFFFFFF80  }
0x11d: {  	_ =	swait.ge [sflag:s2], $0x80  }
0x11e: {  	[sflag:s2] =	ssyncset.done $0x0  }
0x11f: {  	[sflag:s2] =	ssyncadd.s32 $0xFFFFFF80  }
0x120: {  	_ =	sfence.sel $0x180000  }
0x121: {  	[bflag:$0x0] =	sbarrier.arrive $0xFFFF  }
0x122: {  	p0 =	sne.s32 s8, $0x0;
	_ =	strace $0x9000004A  }
0x123: {  	s0 =	sadd.s32 @!p0 $0x100000, s7;
	[bflag:$0x2] =	sbarrier.arrive $0xFFFF  }
0x124: {  	[sflag:s0] =	ssyncadd.tile.s32 @!p0 $0x1;
	_ =	shalt  }
.LBB2_2:
.Ltmp3:
0x125: {  	(pc) =	sbr.rel .LBB2_5-.Ltmp3, $2  }
0x126: {  	_ =	sdelay $0x2  }
0x127: {  	s7 =	rddreg [dreg:$0x2];
	s8 =	stileid.u32  }
.Lfunc_end2:
_tile_overlayer_lowered:
.L_overlay_start_2:
0x128: {  	(tag) =	ssettag $0x2  }
0x129: {  	s0 =	rddreg [dreg:$0x0];
	s2 =	stileid.u32  }
0x12a: {  	s1 =	rddreg [dreg:$0x1];
	p0 =	sne.s32 s2, $0x0  }
0x12b: {  	s3 =	rddreg [dreg:$0x2];
	[bflag:$0x3] =	sbarrier.arrive $0xFFFF;
	s2 =	simm.s32 @!p0 $0x1C02  }
0x12c: {  	[timem:s3], [sflag:s2] =	dma.local @!p0 [hbm:s0], s1  }
0x12d: {  	s0 =	simm.s32 @!p0 $0x2  }
0x12e: {  	_ =	swait.ge @!p0 [sflag:s0], s1  }
0x12f: {  	s1 =	ssub.s32 @!p0 $0x0, s1;
	[sflag:s0] =	ssyncset.done @!p0 $0x0  }
0x130: {  	[sflag:s0] =	ssyncadd.s32 @!p0 s1  }
0x131: {  	[bflag:$0x3] =	sbarrier.arrive $0xFFFF  }
0x132: {  	_ =	shalt  }

</sc_bundles>
